<compile_context>
chip_gen: v7x
topology: tpu7x:2x2x1
jax: 0.10.2.dev20260603
libtpu: 0.0.44.dev20260713+nightly
codegen_flags: <defaults>
</compile_context>

<pallas_src>
import functools

import jax
import jax.numpy as jnp
from jax import lax
from jax.experimental import pallas as pl
from jax.experimental.pallas import tpu as pltpu
from jax.experimental.pallas import tpu_sc as plsc

_NUM_EMB = 1024
_DIM = 32
_COMMITMENT = 0.25
_N = 32 * 2048
_BLOCK = 2048
_GRID = _N // _BLOCK
_ASUB = 8


_SC_WORKERS = 32
_SC_ROWS = _N // _SC_WORKERS
_SC_CHUNK = 64


def _enc_zero_body(z_hbm, out_hbm, zbuf, sem):
    wid = lax.axis_index("s") * 2 + lax.axis_index("c")
    base = wid * _SC_ROWS
    pltpu.sync_copy(z_hbm, zbuf)
    copies = [
        pltpu.async_copy(zbuf, out_hbm.at[pl.ds(base + j * _SC_CHUNK, _SC_CHUNK)], sem)
        for j in range(_SC_ROWS // _SC_CHUNK)
    ]
    for cp in copies:
        cp.wait()


def _enc_zero(zrows):
    mesh = plsc.VectorSubcoreMesh(core_axis_name="c", subcore_axis_name="s")
    return functools.partial(
        pl.kernel, mesh=mesh,
        out_type=jax.ShapeDtypeStruct((_N, _NUM_EMB), jnp.float32),
        scratch_types=[
            pltpu.VMEM((_SC_CHUNK, _NUM_EMB), jnp.float32),
            pltpu.SemaphoreType.DMA,
        ],
    )(_enc_zero_body)(zrows)


def _vq_body(x_ref, e_ref, dist_ref,
             quant_ref, idx_ref, loss_ref, perp_ref, acc_ref, cnt_ref):
    step = pl.program_id(0)
    al = step % _ASUB

    xt = x_ref[:, al, :]
    e = e_ref[...]
    em2 = -2.0 * e
    x2 = jnp.sum(xt * xt, axis=0)[:, None]
    e2 = jnp.sum(e * e, axis=1)[None, :]
    xem2 = jax.lax.dot_general(xt, em2, (((0,), (1,)), ((), ())),
                               preferred_element_type=jnp.float32)
    dist = (x2 + e2) + xem2
    dist_ref[...] = dist

    mn = jnp.min(dist, axis=1, keepdims=True)
    lane = jax.lax.broadcasted_iota(jnp.int32, (_BLOCK, _NUM_EMB), 1)
    idx = jnp.min(jnp.where(dist == mn, lane, _NUM_EMB), axis=1)
    onehot = (lane == idx[:, None]).astype(jnp.float32)
    idx_ref[...] = idx[:, None]

    quant_t = jax.lax.dot_general(e, onehot, (((0,), (1,)), ((), ())),
                                  preferred_element_type=jnp.float32)
    quant_ref[:, al, :] = quant_t

    ones = jnp.ones((1, _BLOCK), jnp.float32)
    cnt = jax.lax.dot_general(ones, onehot, (((1,), (0,)), ((), ())),
                              preferred_element_type=jnp.float32)
    sse = jnp.sum(mn).reshape(1, 1)

    @pl.when(step == 0)
    def _init():
        acc_ref[...] = sse
        cnt_ref[...] = cnt

    @pl.when(step != 0)
    def _accum():
        acc_ref[...] += sse
        cnt_ref[...] += cnt

    @pl.when(step == _GRID - 1)
    def _finalize():
        mse = acc_ref[...] * (1.0 / (_N * _DIM))
        loss_ref[...] = (1.0 + _COMMITMENT) * mse
        probs = cnt_ref[...] * (1.0 / _N)
        ent = jnp.sum(probs * jnp.log(probs + 1e-10))
        perp_ref[...] = jnp.exp(-ent).reshape(1, 1)


def kernel(inputs, embedding_weight):
    enc0 = _enc_zero(jnp.zeros((_SC_CHUNK, _NUM_EMB), jnp.float32))

    dist, quant_t, idx, loss, perp = pl.pallas_call(
        _vq_body,
        grid=(_GRID,),
        in_specs=[
            pl.BlockSpec((_DIM, _ASUB, _BLOCK), lambda i: (0, i // _ASUB, 0)),
            pl.BlockSpec((_NUM_EMB, _DIM), lambda i: (0, 0)),
        ],
        out_specs=[
            pl.BlockSpec((_BLOCK, _NUM_EMB), lambda i: (i, 0)),
            pl.BlockSpec((_DIM, _ASUB, _BLOCK), lambda i: (0, i // _ASUB, 0)),
            pl.BlockSpec((_BLOCK, 1), lambda i: (i, 0)),
            pl.BlockSpec((1, 1), lambda i: (0, 0)),
            pl.BlockSpec((1, 1), lambda i: (0, 0)),
        ],
        out_shape=[
            jax.ShapeDtypeStruct((_N, _NUM_EMB), jnp.float32),
            jax.ShapeDtypeStruct((_DIM, 32, _BLOCK), jnp.float32),
            jax.ShapeDtypeStruct((_N, 1), jnp.int32),
            jax.ShapeDtypeStruct((1, 1), jnp.float32),
            jax.ShapeDtypeStruct((1, 1), jnp.float32),
        ],
        scratch_shapes=[
            pltpu.VMEM((1, 1), jnp.float32),
            pltpu.VMEM((1, _NUM_EMB), jnp.float32),
        ],
    )(inputs, embedding_weight)

    rows = jnp.arange(_N, dtype=jnp.int32)
    enc = enc0.at[rows, idx[:, 0]].set(1.0, unique_indices=True)

    return (loss[0, 0],
            quant_t,
            perp[0, 0],
            enc.reshape(32, 2048, _NUM_EMB),
            dist.reshape(32, 2048, _NUM_EMB),
            idx)

# --- scband reference (transcript-rebuilt; emitter-appended) ---
"""Pipeline reference for scband-vector-quantizer-24352464568639 (READ-ONLY COPY).

The authoritative reference and input builder live on the scoring server;
editing this copy changes nothing except your own understanding.
"""

import jax, jax.numpy as jnp
import numpy as np

NUM_EMBEDDINGS = 1024
EMBEDDING_DIM = 32
COMMITMENT_COST = 0.25


def setup_inputs(seed: int = 0) -> dict:
    key = jax.random.key(seed)
    k1, k2 = jax.random.split(key)
    inputs = jax.random.normal(k1, (32, 32, 2048), dtype=jnp.float32)
    embedding_weight = jax.random.uniform(
        k2, (NUM_EMBEDDINGS, EMBEDDING_DIM), dtype=jnp.float32,
        minval=-1.0 / NUM_EMBEDDINGS, maxval=1.0 / NUM_EMBEDDINGS)
    return {"inputs": inputs, "embedding_weight": embedding_weight}


def reference(inputs, embedding_weight):
    # Faithful translation of VectorQuantizer.forward in training mode
    # (compute_distances_if_possible branches are skipped when self.training=True,
    #  which is the harness default; concatenated_quantized is None in training).
    x = jnp.transpose(inputs, (1, 2, 0))  # permute(1,2,0)
    input_shape = x.shape
    _, time, batch_size = input_shape
    flat_input = x.reshape(-1, EMBEDDING_DIM)
    distances = (jnp.sum(flat_input ** 2, axis=1, keepdims=True)
                 + jnp.sum(embedding_weight ** 2, axis=1)
                 - 2.0 * jnp.matmul(flat_input, embedding_weight.T))
    encoding_indices = jnp.argmin(distances, axis=1)
    encodings = jax.nn.one_hot(encoding_indices, NUM_EMBEDDINGS, dtype=jnp.float32)
    quantized = jnp.matmul(encodings, embedding_weight).reshape(input_shape)
    e_latent_loss = jnp.mean((jax.lax.stop_gradient(quantized) - x) ** 2)
    q_latent_loss = jnp.mean((quantized - jax.lax.stop_gradient(x)) ** 2)
    commitment_loss = COMMITMENT_COST * e_latent_loss
    vq_loss = q_latent_loss + commitment_loss
    quantized_st = x + jax.lax.stop_gradient(quantized - x)
    avg_probs = jnp.mean(encodings, axis=0)
    perplexity = jnp.exp(-jnp.sum(avg_probs * jnp.log(avg_probs + 1e-10)))
    return (vq_loss,
            jnp.transpose(quantized_st, (2, 0, 1)),
            perplexity,
            encodings.reshape(batch_size, time, -1),
            distances.reshape(batch_size, time, -1),
            encoding_indices[:, None])

if __name__ == "__main__":
    import jax
    _d = setup_inputs()
    print(jax.jit(kernel)(*tuple(_d.values())))

</pallas_src>

<mosaic_0001>
#map = affine_map<(d0, d1) -> (0, 0)>
module attributes {stable_mosaic.version = 14 : i64} {
  func.func @_enc_zero_body(%arg0: i32, %arg1: i32, %arg2: memref<64x1024xf32, #tpu.memory_space<hbm>>, %arg3: memref<65536x1024xf32, #tpu.memory_space<hbm>>, %arg4: memref<64x1024xf32, #tpu.memory_space<vmem>>, %arg5: memref<!tpu.dma_semaphore, #tpu.memory_space<semaphore_mem>>) attributes {dimension_semantics = [#tpu.dimension_semantics<core_parallel>, #tpu.dimension_semantics<subcore_parallel>], iteration_bounds = array<i64: 2, 16>, scalar_prefetch = 0 : i64, scratch_operands = 2 : i64, tpu.core_type = #tpu.core_type<sc_vector_subcore>, window_params = [{transform_indices = #map}, {transform_indices = #map}]} {
    %mul3A = arith.constant 2 : i32
    %mul3A_0 = arith.muli %arg1, %mul3A : i32
    %add3A = arith.addi %mul3A_0, %arg0 : i32
    %mul3A_1 = arith.constant 2048 : i32
    %mul3A_2 = arith.muli %add3A, %mul3A_1 : i32
    "tpu.region"() ({
      %run_scoped3A = tpu.sem_alloc : memref<!tpu.dma_semaphore, #tpu.memory_space<semaphore_mem>>
      tpu.enqueue_dma source(%arg2 : memref<64x1024xf32, #tpu.memory_space<hbm>>) target(%arg4 : memref<64x1024xf32, #tpu.memory_space<vmem>>) target_semaphore(%run_scoped3A : memref<!tpu.dma_semaphore, #tpu.memory_space<semaphore_mem>>)
      tpu.wait_dma2 semaphore(%run_scoped3A : memref<!tpu.dma_semaphore, #tpu.memory_space<semaphore_mem>>) src(%arg2 : memref<64x1024xf32, #tpu.memory_space<hbm>>) dst(%arg4 : memref<64x1024xf32, #tpu.memory_space<vmem>>)
      tpu.yield
    }) : () -> ()
    %add3A_3 = arith.constant 0 : i32
    %add3A_4 = arith.addi %mul3A_2, %add3A_3 : i32
    %dma_start3A = arith.constant 0 : i32
    %dma_start3A_5 = tpu.memref_slice %arg3[%add3A_4, %dma_start3A] : memref<65536x1024xf32, #tpu.memory_space<hbm>> -> memref<64x1024xf32, #tpu.memory_space<hbm>>
    %dma_start3A_6 = arith.constant 0 : i32
    %dma_start3A_7 = tpu.memref_slice %arg3[%add3A_4, %dma_start3A_6] : memref<65536x1024xf32, #tpu.memory_space<hbm>> -> memref<64x1024xf32, #tpu.memory_space<hbm>>
    tpu.enqueue_dma source(%arg4 : memref<64x1024xf32, #tpu.memory_space<vmem>>) target(%dma_start3A_7 : memref<64x1024xf32, #tpu.memory_space<hbm>>) target_semaphore(%arg5 : memref<!tpu.dma_semaphore, #tpu.memory_space<semaphore_mem>>)
    %add3A_8 = arith.constant 64 : i32
    %add3A_9 = arith.addi %mul3A_2, %add3A_8 : i32
    %dma_start3A_10 = arith.constant 0 : i32
    %dma_start3A_11 = tpu.memref_slice %arg3[%add3A_9, %dma_start3A_10] : memref<65536x1024xf32, #tpu.memory_space<hbm>> -> memref<64x1024xf32, #tpu.memory_space<hbm>>
    %dma_start3A_12 = arith.constant 0 : i32
    %dma_start3A_13 = tpu.memref_slice %arg3[%add3A_9, %dma_start3A_12] : memref<65536x1024xf32, #tpu.memory_space<hbm>> -> memref<64x1024xf32, #tpu.memory_space<hbm>>
    tpu.enqueue_dma source(%arg4 : memref<64x1024xf32, #tpu.memory_space<vmem>>) target(%dma_start3A_13 : memref<64x1024xf32, #tpu.memory_space<hbm>>) target_semaphore(%arg5 : memref<!tpu.dma_semaphore, #tpu.memory_space<semaphore_mem>>)
    %add3A_14 = arith.constant 128 : i32
    %add3A_15 = arith.addi %mul3A_2, %add3A_14 : i32
    %dma_start3A_16 = arith.constant 0 : i32
    %dma_start3A_17 = tpu.memref_slice %arg3[%add3A_15, %dma_start3A_16] : memref<65536x1024xf32, #tpu.memory_space<hbm>> -> memref<64x1024xf32, #tpu.memory_space<hbm>>
    %dma_start3A_18 = arith.constant 0 : i32
    %dma_start3A_19 = tpu.memref_slice %arg3[%add3A_15, %dma_start3A_18] : memref<65536x1024xf32, #tpu.memory_space<hbm>> -> memref<64x1024xf32, #tpu.memory_space<hbm>>
    tpu.enqueue_dma source(%arg4 : memref<64x1024xf32, #tpu.memory_space<vmem>>) target(%dma_start3A_19 : memref<64x1024xf32, #tpu.memory_space<hbm>>) target_semaphore(%arg5 : memref<!tpu.dma_semaphore, #tpu.memory_space<semaphore_mem>>)
    %add3A_20 = arith.constant 192 : i32
    %add3A_21 = arith.addi %mul3A_2, %add3A_20 : i32
    %dma_start3A_22 = arith.constant 0 : i32
    %dma_start3A_23 = tpu.memref_slice %arg3[%add3A_21, %dma_start3A_22] : memref<65536x1024xf32, #tpu.memory_space<hbm>> -> memref<64x1024xf32, #tpu.memory_space<hbm>>
    %dma_start3A_24 = arith.constant 0 : i32
    %dma_start3A_25 = tpu.memref_slice %arg3[%add3A_21, %dma_start3A_24] : memref<65536x1024xf32, #tpu.memory_space<hbm>> -> memref<64x1024xf32, #tpu.memory_space<hbm>>
    tpu.enqueue_dma source(%arg4 : memref<64x1024xf32, #tpu.memory_space<vmem>>) target(%dma_start3A_25 : memref<64x1024xf32, #tpu.memory_space<hbm>>) target_semaphore(%arg5 : memref<!tpu.dma_semaphore, #tpu.memory_space<semaphore_mem>>)
    %add3A_26 = arith.constant 256 : i32
    %add3A_27 = arith.addi %mul3A_2, %add3A_26 : i32
    %dma_start3A_28 = arith.constant 0 : i32
    %dma_start3A_29 = tpu.memref_slice %arg3[%add3A_27, %dma_start3A_28] : memref<65536x1024xf32, #tpu.memory_space<hbm>> -> memref<64x1024xf32, #tpu.memory_space<hbm>>
    %dma_start3A_30 = arith.constant 0 : i32
    %dma_start3A_31 = tpu.memref_slice %arg3[%add3A_27, %dma_start3A_30] : memref<65536x1024xf32, #tpu.memory_space<hbm>> -> memref<64x1024xf32, #tpu.memory_space<hbm>>
    tpu.enqueue_dma source(%arg4 : memref<64x1024xf32, #tpu.memory_space<vmem>>) target(%dma_start3A_31 : memref<64x1024xf32, #tpu.memory_space<hbm>>) target_semaphore(%arg5 : memref<!tpu.dma_semaphore, #tpu.memory_space<semaphore_mem>>)
    %add3A_32 = arith.constant 320 : i32
    %add3A_33 = arith.addi %mul3A_2, %add3A_32 : i32
    %dma_start3A_34 = arith.constant 0 : i32
    %dma_start3A_35 = tpu.memref_slice %arg3[%add3A_33, %dma_start3A_34] : memref<65536x1024xf32, #tpu.memory_space<hbm>> -> memref<64x1024xf32, #tpu.memory_space<hbm>>
    %dma_start3A_36 = arith.constant 0 : i32
    %dma_start3A_37 = tpu.memref_slice %arg3[%add3A_33, %dma_start3A_36] : memref<65536x1024xf32, #tpu.memory_space<hbm>> -> memref<64x1024xf32, #tpu.memory_space<hbm>>
    tpu.enqueue_dma source(%arg4 : memref<64x1024xf32, #tpu.memory_space<vmem>>) target(%dma_start3A_37 : memref<64x1024xf32, #tpu.memory_space<hbm>>) target_semaphore(%arg5 : memref<!tpu.dma_semaphore, #tpu.memory_space<semaphore_mem>>)
    %add3A_38 = arith.constant 384 : i32
    %add3A_39 = arith.addi %mul3A_2, %add3A_38 : i32
    %dma_start3A_40 = arith.constant 0 : i32
    %dma_start3A_41 = tpu.memref_slice %arg3[%add3A_39, %dma_start3A_40] : memref<65536x1024xf32, #tpu.memory_space<hbm>> -> memref<64x1024xf32, #tpu.memory_space<hbm>>
    %dma_start3A_42 = arith.constant 0 : i32
    %dma_start3A_43 = tpu.memref_slice %arg3[%add3A_39, %dma_start3A_42] : memref<65536x1024xf32, #tpu.memory_space<hbm>> -> memref<64x1024xf32, #tpu.memory_space<hbm>>
    tpu.enqueue_dma source(%arg4 : memref<64x1024xf32, #tpu.memory_space<vmem>>) target(%dma_start3A_43 : memref<64x1024xf32, #tpu.memory_space<hbm>>) target_semaphore(%arg5 : memref<!tpu.dma_semaphore, #tpu.memory_space<semaphore_mem>>)
    %add3A_44 = arith.constant 448 : i32
    %add3A_45 = arith.addi %mul3A_2, %add3A_44 : i32
    %dma_start3A_46 = arith.constant 0 : i32
    %dma_start3A_47 = tpu.memref_slice %arg3[%add3A_45, %dma_start3A_46] : memref<65536x1024xf32, #tpu.memory_space<hbm>> -> memref<64x1024xf32, #tpu.memory_space<hbm>>
    %dma_start3A_48 = arith.constant 0 : i32
    %dma_start3A_49 = tpu.memref_slice %arg3[%add3A_45, %dma_start3A_48] : memref<65536x1024xf32, #tpu.memory_space<hbm>> -> memref<64x1024xf32, #tpu.memory_space<hbm>>
    tpu.enqueue_dma source(%arg4 : memref<64x1024xf32, #tpu.memory_space<vmem>>) target(%dma_start3A_49 : memref<64x1024xf32, #tpu.memory_space<hbm>>) target_semaphore(%arg5 : memref<!tpu.dma_semaphore, #tpu.memory_space<semaphore_mem>>)
    %add3A_50 = arith.constant 512 : i32
    %add3A_51 = arith.addi %mul3A_2, %add3A_50 : i32
    %dma_start3A_52 = arith.constant 0 : i32
    %dma_start3A_53 = tpu.memref_slice %arg3[%add3A_51, %dma_start3A_52] : memref<65536x1024xf32, #tpu.memory_space<hbm>> -> memref<64x1024xf32, #tpu.memory_space<hbm>>
    %dma_start3A_54 = arith.constant 0 : i32
    %dma_start3A_55 = tpu.memref_slice %arg3[%add3A_51, %dma_start3A_54] : memref<65536x1024xf32, #tpu.memory_space<hbm>> -> memref<64x1024xf32, #tpu.memory_space<hbm>>
    tpu.enqueue_dma source(%arg4 : memref<64x1024xf32, #tpu.memory_space<vmem>>) target(%dma_start3A_55 : memref<64x1024xf32, #tpu.memory_space<hbm>>) target_semaphore(%arg5 : memref<!tpu.dma_semaphore, #tpu.memory_space<semaphore_mem>>)
    %add3A_56 = arith.constant 576 : i32
    %add3A_57 = arith.addi %mul3A_2, %add3A_56 : i32
    %dma_start3A_58 = arith.constant 0 : i32
    %dma_start3A_59 = tpu.memref_slice %arg3[%add3A_57, %dma_start3A_58] : memref<65536x1024xf32, #tpu.memory_space<hbm>> -> memref<64x1024xf32, #tpu.memory_space<hbm>>
    %dma_start3A_60 = arith.constant 0 : i32
    %dma_start3A_61 = tpu.memref_slice %arg3[%add3A_57, %dma_start3A_60] : memref<65536x1024xf32, #tpu.memory_space<hbm>> -> memref<64x1024xf32, #tpu.memory_space<hbm>>
    tpu.enqueue_dma source(%arg4 : memref<64x1024xf32, #tpu.memory_space<vmem>>) target(%dma_start3A_61 : memref<64x1024xf32, #tpu.memory_space<hbm>>) target_semaphore(%arg5 : memref<!tpu.dma_semaphore, #tpu.memory_space<semaphore_mem>>)
    %add3A_62 = arith.constant 640 : i32
    %add3A_63 = arith.addi %mul3A_2, %add3A_62 : i32
    %dma_start3A_64 = arith.constant 0 : i32
    %dma_start3A_65 = tpu.memref_slice %arg3[%add3A_63, %dma_start3A_64] : memref<65536x1024xf32, #tpu.memory_space<hbm>> -> memref<64x1024xf32, #tpu.memory_space<hbm>>
    %dma_start3A_66 = arith.constant 0 : i32
    %dma_start3A_67 = tpu.memref_slice %arg3[%add3A_63, %dma_start3A_66] : memref<65536x1024xf32, #tpu.memory_space<hbm>> -> memref<64x1024xf32, #tpu.memory_space<hbm>>
    tpu.enqueue_dma source(%arg4 : memref<64x1024xf32, #tpu.memory_space<vmem>>) target(%dma_start3A_67 : memref<64x1024xf32, #tpu.memory_space<hbm>>) target_semaphore(%arg5 : memref<!tpu.dma_semaphore, #tpu.memory_space<semaphore_mem>>)
    %add3A_68 = arith.constant 704 : i32
    %add3A_69 = arith.addi %mul3A_2, %add3A_68 : i32
    %dma_start3A_70 = arith.constant 0 : i32
    %dma_start3A_71 = tpu.memref_slice %arg3[%add3A_69, %dma_start3A_70] : memref<65536x1024xf32, #tpu.memory_space<hbm>> -> memref<64x1024xf32, #tpu.memory_space<hbm>>
    %dma_start3A_72 = arith.constant 0 : i32
    %dma_start3A_73 = tpu.memref_slice %arg3[%add3A_69, %dma_start3A_72] : memref<65536x1024xf32, #tpu.memory_space<hbm>> -> memref<64x1024xf32, #tpu.memory_space<hbm>>
    tpu.enqueue_dma source(%arg4 : memref<64x1024xf32, #tpu.memory_space<vmem>>) target(%dma_start3A_73 : memref<64x1024xf32, #tpu.memory_space<hbm>>) target_semaphore(%arg5 : memref<!tpu.dma_semaphore, #tpu.memory_space<semaphore_mem>>)
    %add3A_74 = arith.constant 768 : i32
    %add3A_75 = arith.addi %mul3A_2, %add3A_74 : i32
    %dma_start3A_76 = arith.constant 0 : i32
    %dma_start3A_77 = tpu.memref_slice %arg3[%add3A_75, %dma_start3A_76] : memref<65536x1024xf32, #tpu.memory_space<hbm>> -> memref<64x1024xf32, #tpu.memory_space<hbm>>
    %dma_start3A_78 = arith.constant 0 : i32
    %dma_start3A_79 = tpu.memref_slice %arg3[%add3A_75, %dma_start3A_78] : memref<65536x1024xf32, #tpu.memory_space<hbm>> -> memref<64x1024xf32, #tpu.memory_space<hbm>>
    tpu.enqueue_dma source(%arg4 : memref<64x1024xf32, #tpu.memory_space<vmem>>) target(%dma_start3A_79 : memref<64x1024xf32, #tpu.memory_space<hbm>>) target_semaphore(%arg5 : memref<!tpu.dma_semaphore, #tpu.memory_space<semaphore_mem>>)
    %add3A_80 = arith.constant 832 : i32
    %add3A_81 = arith.addi %mul3A_2, %add3A_80 : i32
    %dma_start3A_82 = arith.constant 0 : i32
    %dma_start3A_83 = tpu.memref_slice %arg3[%add3A_81, %dma_start3A_82] : memref<65536x1024xf32, #tpu.memory_space<hbm>> -> memref<64x1024xf32, #tpu.memory_space<hbm>>
    %dma_start3A_84 = arith.constant 0 : i32
    %dma_start3A_85 = tpu.memref_slice %arg3[%add3A_81, %dma_start3A_84] : memref<65536x1024xf32, #tpu.memory_space<hbm>> -> memref<64x1024xf32, #tpu.memory_space<hbm>>
    tpu.enqueue_dma source(%arg4 : memref<64x1024xf32, #tpu.memory_space<vmem>>) target(%dma_start3A_85 : memref<64x1024xf32, #tpu.memory_space<hbm>>) target_semaphore(%arg5 : memref<!tpu.dma_semaphore, #tpu.memory_space<semaphore_mem>>)
    %add3A_86 = arith.constant 896 : i32
    %add3A_87 = arith.addi %mul3A_2, %add3A_86 : i32
    %dma_start3A_88 = arith.constant 0 : i32
    %dma_start3A_89 = tpu.memref_slice %arg3[%add3A_87, %dma_start3A_88] : memref<65536x1024xf32, #tpu.memory_space<hbm>> -> memref<64x1024xf32, #tpu.memory_space<hbm>>
    %dma_start3A_90 = arith.constant 0 : i32
    %dma_start3A_91 = tpu.memref_slice %arg3[%add3A_87, %dma_start3A_90] : memref<65536x1024xf32, #tpu.memory_space<hbm>> -> memref<64x1024xf32, #tpu.memory_space<hbm>>
    tpu.enqueue_dma source(%arg4 : memref<64x1024xf32, #tpu.memory_space<vmem>>) target(%dma_start3A_91 : memref<64x1024xf32, #tpu.memory_space<hbm>>) target_semaphore(%arg5 : memref<!tpu.dma_semaphore, #tpu.memory_space<semaphore_mem>>)
    %add3A_92 = arith.constant 960 : i32
    %add3A_93 = arith.addi %mul3A_2, %add3A_92 : i32
    %dma_start3A_94 = arith.constant 0 : i32
    %dma_start3A_95 = tpu.memref_slice %arg3[%add3A_93, %dma_start3A_94] : memref<65536x1024xf32, #tpu.memory_space<hbm>> -> memref<64x1024xf32, #tpu.memory_space<hbm>>
    %dma_start3A_96 = arith.constant 0 : i32
    %dma_start3A_97 = tpu.memref_slice %arg3[%add3A_93, %dma_start3A_96] : memref<65536x1024xf32, #tpu.memory_space<hbm>> -> memref<64x1024xf32, #tpu.memory_space<hbm>>
    tpu.enqueue_dma source(%arg4 : memref<64x1024xf32, #tpu.memory_space<vmem>>) target(%dma_start3A_97 : memref<64x1024xf32, #tpu.memory_space<hbm>>) target_semaphore(%arg5 : memref<!tpu.dma_semaphore, #tpu.memory_space<semaphore_mem>>)
    %add3A_98 = arith.constant 1024 : i32
    %add3A_99 = arith.addi %mul3A_2, %add3A_98 : i32
    %dma_start3A_100 = arith.constant 0 : i32
    %dma_start3A_101 = tpu.memref_slice %arg3[%add3A_99, %dma_start3A_100] : memref<65536x1024xf32, #tpu.memory_space<hbm>> -> memref<64x1024xf32, #tpu.memory_space<hbm>>
    %dma_start3A_102 = arith.constant 0 : i32
    %dma_start3A_103 = tpu.memref_slice %arg3[%add3A_99, %dma_start3A_102] : memref<65536x1024xf32, #tpu.memory_space<hbm>> -> memref<64x1024xf32, #tpu.memory_space<hbm>>
    tpu.enqueue_dma source(%arg4 : memref<64x1024xf32, #tpu.memory_space<vmem>>) target(%dma_start3A_103 : memref<64x1024xf32, #tpu.memory_space<hbm>>) target_semaphore(%arg5 : memref<!tpu.dma_semaphore, #tpu.memory_space<semaphore_mem>>)
    %add3A_104 = arith.constant 1088 : i32
    %add3A_105 = arith.addi %mul3A_2, %add3A_104 : i32
    %dma_start3A_106 = arith.constant 0 : i32
    %dma_start3A_107 = tpu.memref_slice %arg3[%add3A_105, %dma_start3A_106] : memref<65536x1024xf32, #tpu.memory_space<hbm>> -> memref<64x1024xf32, #tpu.memory_space<hbm>>
    %dma_start3A_108 = arith.constant 0 : i32
    %dma_start3A_109 = tpu.memref_slice %arg3[%add3A_105, %dma_start3A_108] : memref<65536x1024xf32, #tpu.memory_space<hbm>> -> memref<64x1024xf32, #tpu.memory_space<hbm>>
    tpu.enqueue_dma source(%arg4 : memref<64x1024xf32, #tpu.memory_space<vmem>>) target(%dma_start3A_109 : memref<64x1024xf32, #tpu.memory_space<hbm>>) target_semaphore(%arg5 : memref<!tpu.dma_semaphore, #tpu.memory_space<semaphore_mem>>)
    %add3A_110 = arith.constant 1152 : i32
    %add3A_111 = arith.addi %mul3A_2, %add3A_110 : i32
    %dma_start3A_112 = arith.constant 0 : i32
    %dma_start3A_113 = tpu.memref_slice %arg3[%add3A_111, %dma_start3A_112] : memref<65536x1024xf32, #tpu.memory_space<hbm>> -> memref<64x1024xf32, #tpu.memory_space<hbm>>
    %dma_start3A_114 = arith.constant 0 : i32
    %dma_start3A_115 = tpu.memref_slice %arg3[%add3A_111, %dma_start3A_114] : memref<65536x1024xf32, #tpu.memory_space<hbm>> -> memref<64x1024xf32, #tpu.memory_space<hbm>>
    tpu.enqueue_dma source(%arg4 : memref<64x1024xf32, #tpu.memory_space<vmem>>) target(%dma_start3A_115 : memref<64x1024xf32, #tpu.memory_space<hbm>>) target_semaphore(%arg5 : memref<!tpu.dma_semaphore, #tpu.memory_space<semaphore_mem>>)
    %add3A_116 = arith.constant 1216 : i32
    %add3A_117 = arith.addi %mul3A_2, %add3A_116 : i32
    %dma_start3A_118 = arith.constant 0 : i32
    %dma_start3A_119 = tpu.memref_slice %arg3[%add3A_117, %dma_start3A_118] : memref<65536x1024xf32, #tpu.memory_space<hbm>> -> memref<64x1024xf32, #tpu.memory_space<hbm>>
    %dma_start3A_120 = arith.constant 0 : i32
    %dma_start3A_121 = tpu.memref_slice %arg3[%add3A_117, %dma_start3A_120] : memref<65536x1024xf32, #tpu.memory_space<hbm>> -> memref<64x1024xf32, #tpu.memory_space<hbm>>
    tpu.enqueue_dma source(%arg4 : memref<64x1024xf32, #tpu.memory_space<vmem>>) target(%dma_start3A_121 : memref<64x1024xf32, #tpu.memory_space<hbm>>) target_semaphore(%arg5 : memref<!tpu.dma_semaphore, #tpu.memory_space<semaphore_mem>>)
    %add3A_122 = arith.constant 1280 : i32
    %add3A_123 = arith.addi %mul3A_2, %add3A_122 : i32
    %dma_start3A_124 = arith.constant 0 : i32
    %dma_start3A_125 = tpu.memref_slice %arg3[%add3A_123, %dma_start3A_124] : memref<65536x1024xf32, #tpu.memory_space<hbm>> -> memref<64x1024xf32, #tpu.memory_space<hbm>>
    %dma_start3A_126 = arith.constant 0 : i32
    %dma_start3A_127 = tpu.memref_slice %arg3[%add3A_123, %dma_start3A_126] : memref<65536x1024xf32, #tpu.memory_space<hbm>> -> memref<64x1024xf32, #tpu.memory_space<hbm>>
    tpu.enqueue_dma source(%arg4 : memref<64x1024xf32, #tpu.memory_space<vmem>>) target(%dma_start3A_127 : memref<64x1024xf32, #tpu.memory_space<hbm>>) target_semaphore(%arg5 : memref<!tpu.dma_semaphore, #tpu.memory_space<semaphore_mem>>)
    %add3A_128 = arith.constant 1344 : i32
    %add3A_129 = arith.addi %mul3A_2, %add3A_128 : i32
    %dma_start3A_130 = arith.constant 0 : i32
    %dma_start3A_131 = tpu.memref_slice %arg3[%add3A_129, %dma_start3A_130] : memref<65536x1024xf32, #tpu.memory_space<hbm>> -> memref<64x1024xf32, #tpu.memory_space<hbm>>
    %dma_start3A_132 = arith.constant 0 : i32
    %dma_start3A_133 = tpu.memref_slice %arg3[%add3A_129, %dma_start3A_132] : memref<65536x1024xf32, #tpu.memory_space<hbm>> -> memref<64x1024xf32, #tpu.memory_space<hbm>>
    tpu.enqueue_dma source(%arg4 : memref<64x1024xf32, #tpu.memory_space<vmem>>) target(%dma_start3A_133 : memref<64x1024xf32, #tpu.memory_space<hbm>>) target_semaphore(%arg5 : memref<!tpu.dma_semaphore, #tpu.memory_space<semaphore_mem>>)
    %add3A_134 = arith.constant 1408 : i32
    %add3A_135 = arith.addi %mul3A_2, %add3A_134 : i32
    %dma_start3A_136 = arith.constant 0 : i32
    %dma_start3A_137 = tpu.memref_slice %arg3[%add3A_135, %dma_start3A_136] : memref<65536x1024xf32, #tpu.memory_space<hbm>> -> memref<64x1024xf32, #tpu.memory_space<hbm>>
    %dma_start3A_138 = arith.constant 0 : i32
    %dma_start3A_139 = tpu.memref_slice %arg3[%add3A_135, %dma_start3A_138] : memref<65536x1024xf32, #tpu.memory_space<hbm>> -> memref<64x1024xf32, #tpu.memory_space<hbm>>
    tpu.enqueue_dma source(%arg4 : memref<64x1024xf32, #tpu.memory_space<vmem>>) target(%dma_start3A_139 : memref<64x1024xf32, #tpu.memory_space<hbm>>) target_semaphore(%arg5 : memref<!tpu.dma_semaphore, #tpu.memory_space<semaphore_mem>>)
    %add3A_140 = arith.constant 1472 : i32
    %add3A_141 = arith.addi %mul3A_2, %add3A_140 : i32
    %dma_start3A_142 = arith.constant 0 : i32
    %dma_start3A_143 = tpu.memref_slice %arg3[%add3A_141, %dma_start3A_142] : memref<65536x1024xf32, #tpu.memory_space<hbm>> -> memref<64x1024xf32, #tpu.memory_space<hbm>>
    %dma_start3A_144 = arith.constant 0 : i32
    %dma_start3A_145 = tpu.memref_slice %arg3[%add3A_141, %dma_start3A_144] : memref<65536x1024xf32, #tpu.memory_space<hbm>> -> memref<64x1024xf32, #tpu.memory_space<hbm>>
    tpu.enqueue_dma source(%arg4 : memref<64x1024xf32, #tpu.memory_space<vmem>>) target(%dma_start3A_145 : memref<64x1024xf32, #tpu.memory_space<hbm>>) target_semaphore(%arg5 : memref<!tpu.dma_semaphore, #tpu.memory_space<semaphore_mem>>)
    %add3A_146 = arith.constant 1536 : i32
    %add3A_147 = arith.addi %mul3A_2, %add3A_146 : i32
    %dma_start3A_148 = arith.constant 0 : i32
    %dma_start3A_149 = tpu.memref_slice %arg3[%add3A_147, %dma_start3A_148] : memref<65536x1024xf32, #tpu.memory_space<hbm>> -> memref<64x1024xf32, #tpu.memory_space<hbm>>
    %dma_start3A_150 = arith.constant 0 : i32
    %dma_start3A_151 = tpu.memref_slice %arg3[%add3A_147, %dma_start3A_150] : memref<65536x1024xf32, #tpu.memory_space<hbm>> -> memref<64x1024xf32, #tpu.memory_space<hbm>>
    tpu.enqueue_dma source(%arg4 : memref<64x1024xf32, #tpu.memory_space<vmem>>) target(%dma_start3A_151 : memref<64x1024xf32, #tpu.memory_space<hbm>>) target_semaphore(%arg5 : memref<!tpu.dma_semaphore, #tpu.memory_space<semaphore_mem>>)
    %add3A_152 = arith.constant 1600 : i32
    %add3A_153 = arith.addi %mul3A_2, %add3A_152 : i32
    %dma_start3A_154 = arith.constant 0 : i32
    %dma_start3A_155 = tpu.memref_slice %arg3[%add3A_153, %dma_start3A_154] : memref<65536x1024xf32, #tpu.memory_space<hbm>> -> memref<64x1024xf32, #tpu.memory_space<hbm>>
    %dma_start3A_156 = arith.constant 0 : i32
    %dma_start3A_157 = tpu.memref_slice %arg3[%add3A_153, %dma_start3A_156] : memref<65536x1024xf32, #tpu.memory_space<hbm>> -> memref<64x1024xf32, #tpu.memory_space<hbm>>
    tpu.enqueue_dma source(%arg4 : memref<64x1024xf32, #tpu.memory_space<vmem>>) target(%dma_start3A_157 : memref<64x1024xf32, #tpu.memory_space<hbm>>) target_semaphore(%arg5 : memref<!tpu.dma_semaphore, #tpu.memory_space<semaphore_mem>>)
    %add3A_158 = arith.constant 1664 : i32
    %add3A_159 = arith.addi %mul3A_2, %add3A_158 : i32
    %dma_start3A_160 = arith.constant 0 : i32
    %dma_start3A_161 = tpu.memref_slice %arg3[%add3A_159, %dma_start3A_160] : memref<65536x1024xf32, #tpu.memory_space<hbm>> -> memref<64x1024xf32, #tpu.memory_space<hbm>>
    %dma_start3A_162 = arith.constant 0 : i32
    %dma_start3A_163 = tpu.memref_slice %arg3[%add3A_159, %dma_start3A_162] : memref<65536x1024xf32, #tpu.memory_space<hbm>> -> memref<64x1024xf32, #tpu.memory_space<hbm>>
    tpu.enqueue_dma source(%arg4 : memref<64x1024xf32, #tpu.memory_space<vmem>>) target(%dma_start3A_163 : memref<64x1024xf32, #tpu.memory_space<hbm>>) target_semaphore(%arg5 : memref<!tpu.dma_semaphore, #tpu.memory_space<semaphore_mem>>)
    %add3A_164 = arith.constant 1728 : i32
    %add3A_165 = arith.addi %mul3A_2, %add3A_164 : i32
    %dma_start3A_166 = arith.constant 0 : i32
    %dma_start3A_167 = tpu.memref_slice %arg3[%add3A_165, %dma_start3A_166] : memref<65536x1024xf32, #tpu.memory_space<hbm>> -> memref<64x1024xf32, #tpu.memory_space<hbm>>
    %dma_start3A_168 = arith.constant 0 : i32
    %dma_start3A_169 = tpu.memref_slice %arg3[%add3A_165, %dma_start3A_168] : memref<65536x1024xf32, #tpu.memory_space<hbm>> -> memref<64x1024xf32, #tpu.memory_space<hbm>>
    tpu.enqueue_dma source(%arg4 : memref<64x1024xf32, #tpu.memory_space<vmem>>) target(%dma_start3A_169 : memref<64x1024xf32, #tpu.memory_space<hbm>>) target_semaphore(%arg5 : memref<!tpu.dma_semaphore, #tpu.memory_space<semaphore_mem>>)
    %add3A_170 = arith.constant 1792 : i32
    %add3A_171 = arith.addi %mul3A_2, %add3A_170 : i32
    %dma_start3A_172 = arith.constant 0 : i32
    %dma_start3A_173 = tpu.memref_slice %arg3[%add3A_171, %dma_start3A_172] : memref<65536x1024xf32, #tpu.memory_space<hbm>> -> memref<64x1024xf32, #tpu.memory_space<hbm>>
    %dma_start3A_174 = arith.constant 0 : i32
    %dma_start3A_175 = tpu.memref_slice %arg3[%add3A_171, %dma_start3A_174] : memref<65536x1024xf32, #tpu.memory_space<hbm>> -> memref<64x1024xf32, #tpu.memory_space<hbm>>
    tpu.enqueue_dma source(%arg4 : memref<64x1024xf32, #tpu.memory_space<vmem>>) target(%dma_start3A_175 : memref<64x1024xf32, #tpu.memory_space<hbm>>) target_semaphore(%arg5 : memref<!tpu.dma_semaphore, #tpu.memory_space<semaphore_mem>>)
    %add3A_176 = arith.constant 1856 : i32
    %add3A_177 = arith.addi %mul3A_2, %add3A_176 : i32
    %dma_start3A_178 = arith.constant 0 : i32
    %dma_start3A_179 = tpu.memref_slice %arg3[%add3A_177, %dma_start3A_178] : memref<65536x1024xf32, #tpu.memory_space<hbm>> -> memref<64x1024xf32, #tpu.memory_space<hbm>>
    %dma_start3A_180 = arith.constant 0 : i32
    %dma_start3A_181 = tpu.memref_slice %arg3[%add3A_177, %dma_start3A_180] : memref<65536x1024xf32, #tpu.memory_space<hbm>> -> memref<64x1024xf32, #tpu.memory_space<hbm>>
    tpu.enqueue_dma source(%arg4 : memref<64x1024xf32, #tpu.memory_space<vmem>>) target(%dma_start3A_181 : memref<64x1024xf32, #tpu.memory_space<hbm>>) target_semaphore(%arg5 : memref<!tpu.dma_semaphore, #tpu.memory_space<semaphore_mem>>)
    %add3A_182 = arith.constant 1920 : i32
    %add3A_183 = arith.addi %mul3A_2, %add3A_182 : i32
    %dma_start3A_184 = arith.constant 0 : i32
    %dma_start3A_185 = tpu.memref_slice %arg3[%add3A_183, %dma_start3A_184] : memref<65536x1024xf32, #tpu.memory_space<hbm>> -> memref<64x1024xf32, #tpu.memory_space<hbm>>
    %dma_start3A_186 = arith.constant 0 : i32
    %dma_start3A_187 = tpu.memref_slice %arg3[%add3A_183, %dma_start3A_186] : memref<65536x1024xf32, #tpu.memory_space<hbm>> -> memref<64x1024xf32, #tpu.memory_space<hbm>>
    tpu.enqueue_dma source(%arg4 : memref<64x1024xf32, #tpu.memory_space<vmem>>) target(%dma_start3A_187 : memref<64x1024xf32, #tpu.memory_space<hbm>>) target_semaphore(%arg5 : memref<!tpu.dma_semaphore, #tpu.memory_space<semaphore_mem>>)
    %add3A_188 = arith.constant 1984 : i32
    %add3A_189 = arith.addi %mul3A_2, %add3A_188 : i32
    %dma_start3A_190 = arith.constant 0 : i32
    %dma_start3A_191 = tpu.memref_slice %arg3[%add3A_189, %dma_start3A_190] : memref<65536x1024xf32, #tpu.memory_space<hbm>> -> memref<64x1024xf32, #tpu.memory_space<hbm>>
    %dma_start3A_192 = arith.constant 0 : i32
    %dma_start3A_193 = tpu.memref_slice %arg3[%add3A_189, %dma_start3A_192] : memref<65536x1024xf32, #tpu.memory_space<hbm>> -> memref<64x1024xf32, #tpu.memory_space<hbm>>
    tpu.enqueue_dma source(%arg4 : memref<64x1024xf32, #tpu.memory_space<vmem>>) target(%dma_start3A_193 : memref<64x1024xf32, #tpu.memory_space<hbm>>) target_semaphore(%arg5 : memref<!tpu.dma_semaphore, #tpu.memory_space<semaphore_mem>>)
    %dma_wait3A = arith.constant 0 : i32
    %dma_wait3A_194 = tpu.memref_slice %arg3[%add3A_4, %dma_wait3A] : memref<65536x1024xf32, #tpu.memory_space<hbm>> -> memref<64x1024xf32, #tpu.memory_space<hbm>>
    %dma_wait3A_195 = arith.constant 0 : i32
    %dma_wait3A_196 = tpu.memref_slice %arg3[%add3A_4, %dma_wait3A_195] : memref<65536x1024xf32, #tpu.memory_space<hbm>> -> memref<64x1024xf32, #tpu.memory_space<hbm>>
    tpu.wait_dma2 semaphore(%arg5 : memref<!tpu.dma_semaphore, #tpu.memory_space<semaphore_mem>>) src(%arg4 : memref<64x1024xf32, #tpu.memory_space<vmem>>) dst(%dma_wait3A_196 : memref<64x1024xf32, #tpu.memory_space<hbm>>)
    %dma_wait3A_197 = arith.constant 0 : i32
    %dma_wait3A_198 = tpu.memref_slice %arg3[%add3A_9, %dma_wait3A_197] : memref<65536x1024xf32, #tpu.memory_space<hbm>> -> memref<64x1024xf32, #tpu.memory_space<hbm>>
    %dma_wait3A_199 = arith.constant 0 : i32
    %dma_wait3A_200 = tpu.memref_slice %arg3[%add3A_9, %dma_wait3A_199] : memref<65536x1024xf32, #tpu.memory_space<hbm>> -> memref<64x1024xf32, #tpu.memory_space<hbm>>
    tpu.wait_dma2 semaphore(%arg5 : memref<!tpu.dma_semaphore, #tpu.memory_space<semaphore_mem>>) src(%arg4 : memref<64x1024xf32, #tpu.memory_space<vmem>>) dst(%dma_wait3A_200 : memref<64x1024xf32, #tpu.memory_space<hbm>>)
    %dma_wait3A_201 = arith.constant 0 : i32
    %dma_wait3A_202 = tpu.memref_slice %arg3[%add3A_15, %dma_wait3A_201] : memref<65536x1024xf32, #tpu.memory_space<hbm>> -> memref<64x1024xf32, #tpu.memory_space<hbm>>
    %dma_wait3A_203 = arith.constant 0 : i32
    %dma_wait3A_204 = tpu.memref_slice %arg3[%add3A_15, %dma_wait3A_203] : memref<65536x1024xf32, #tpu.memory_space<hbm>> -> memref<64x1024xf32, #tpu.memory_space<hbm>>
    tpu.wait_dma2 semaphore(%arg5 : memref<!tpu.dma_semaphore, #tpu.memory_space<semaphore_mem>>) src(%arg4 : memref<64x1024xf32, #tpu.memory_space<vmem>>) dst(%dma_wait3A_204 : memref<64x1024xf32, #tpu.memory_space<hbm>>)
    %dma_wait3A_205 = arith.constant 0 : i32
    %dma_wait3A_206 = tpu.memref_slice %arg3[%add3A_21, %dma_wait3A_205] : memref<65536x1024xf32, #tpu.memory_space<hbm>> -> memref<64x1024xf32, #tpu.memory_space<hbm>>
    %dma_wait3A_207 = arith.constant 0 : i32
    %dma_wait3A_208 = tpu.memref_slice %arg3[%add3A_21, %dma_wait3A_207] : memref<65536x1024xf32, #tpu.memory_space<hbm>> -> memref<64x1024xf32, #tpu.memory_space<hbm>>
    tpu.wait_dma2 semaphore(%arg5 : memref<!tpu.dma_semaphore, #tpu.memory_space<semaphore_mem>>) src(%arg4 : memref<64x1024xf32, #tpu.memory_space<vmem>>) dst(%dma_wait3A_208 : memref<64x1024xf32, #tpu.memory_space<hbm>>)
    %dma_wait3A_209 = arith.constant 0 : i32
    %dma_wait3A_210 = tpu.memref_slice %arg3[%add3A_27, %dma_wait3A_209] : memref<65536x1024xf32, #tpu.memory_space<hbm>> -> memref<64x1024xf32, #tpu.memory_space<hbm>>
    %dma_wait3A_211 = arith.constant 0 : i32
    %dma_wait3A_212 = tpu.memref_slice %arg3[%add3A_27, %dma_wait3A_211] : memref<65536x1024xf32, #tpu.memory_space<hbm>> -> memref<64x1024xf32, #tpu.memory_space<hbm>>
    tpu.wait_dma2 semaphore(%arg5 : memref<!tpu.dma_semaphore, #tpu.memory_space<semaphore_mem>>) src(%arg4 : memref<64x1024xf32, #tpu.memory_space<vmem>>) dst(%dma_wait3A_212 : memref<64x1024xf32, #tpu.memory_space<hbm>>)
    %dma_wait3A_213 = arith.constant 0 : i32
    %dma_wait3A_214 = tpu.memref_slice %arg3[%add3A_33, %dma_wait3A_213] : memref<65536x1024xf32, #tpu.memory_space<hbm>> -> memref<64x1024xf32, #tpu.memory_space<hbm>>
    %dma_wait3A_215 = arith.constant 0 : i32
    %dma_wait3A_216 = tpu.memref_slice %arg3[%add3A_33, %dma_wait3A_215] : memref<65536x1024xf32, #tpu.memory_space<hbm>> -> memref<64x1024xf32, #tpu.memory_space<hbm>>
    tpu.wait_dma2 semaphore(%arg5 : memref<!tpu.dma_semaphore, #tpu.memory_space<semaphore_mem>>) src(%arg4 : memref<64x1024xf32, #tpu.memory_space<vmem>>) dst(%dma_wait3A_216 : memref<64x1024xf32, #tpu.memory_space<hbm>>)
    %dma_wait3A_217 = arith.constant 0 : i32
    %dma_wait3A_218 = tpu.memref_slice %arg3[%add3A_39, %dma_wait3A_217] : memref<65536x1024xf32, #tpu.memory_space<hbm>> -> memref<64x1024xf32, #tpu.memory_space<hbm>>
    %dma_wait3A_219 = arith.constant 0 : i32
    %dma_wait3A_220 = tpu.memref_slice %arg3[%add3A_39, %dma_wait3A_219] : memref<65536x1024xf32, #tpu.memory_space<hbm>> -> memref<64x1024xf32, #tpu.memory_space<hbm>>
    tpu.wait_dma2 semaphore(%arg5 : memref<!tpu.dma_semaphore, #tpu.memory_space<semaphore_mem>>) src(%arg4 : memref<64x1024xf32, #tpu.memory_space<vmem>>) dst(%dma_wait3A_220 : memref<64x1024xf32, #tpu.memory_space<hbm>>)
    %dma_wait3A_221 = arith.constant 0 : i32
    %dma_wait3A_222 = tpu.memref_slice %arg3[%add3A_45, %dma_wait3A_221] : memref<65536x1024xf32, #tpu.memory_space<hbm>> -> memref<64x1024xf32, #tpu.memory_space<hbm>>
    %dma_wait3A_223 = arith.constant 0 : i32
    %dma_wait3A_224 = tpu.memref_slice %arg3[%add3A_45, %dma_wait3A_223] : memref<65536x1024xf32, #tpu.memory_space<hbm>> -> memref<64x1024xf32, #tpu.memory_space<hbm>>
    tpu.wait_dma2 semaphore(%arg5 : memref<!tpu.dma_semaphore, #tpu.memory_space<semaphore_mem>>) src(%arg4 : memref<64x1024xf32, #tpu.memory_space<vmem>>) dst(%dma_wait3A_224 : memref<64x1024xf32, #tpu.memory_space<hbm>>)
    %dma_wait3A_225 = arith.constant 0 : i32
    %dma_wait3A_226 = tpu.memref_slice %arg3[%add3A_51, %dma_wait3A_225] : memref<65536x1024xf32, #tpu.memory_space<hbm>> -> memref<64x1024xf32, #tpu.memory_space<hbm>>
    %dma_wait3A_227 = arith.constant 0 : i32
    %dma_wait3A_228 = tpu.memref_slice %arg3[%add3A_51, %dma_wait3A_227] : memref<65536x1024xf32, #tpu.memory_space<hbm>> -> memref<64x1024xf32, #tpu.memory_space<hbm>>
    tpu.wait_dma2 semaphore(%arg5 : memref<!tpu.dma_semaphore, #tpu.memory_space<semaphore_mem>>) src(%arg4 : memref<64x1024xf32, #tpu.memory_space<vmem>>) dst(%dma_wait3A_228 : memref<64x1024xf32, #tpu.memory_space<hbm>>)
    %dma_wait3A_229 = arith.constant 0 : i32
    %dma_wait3A_230 = tpu.memref_slice %arg3[%add3A_57, %dma_wait3A_229] : memref<65536x1024xf32, #tpu.memory_space<hbm>> -> memref<64x1024xf32, #tpu.memory_space<hbm>>
    %dma_wait3A_231 = arith.constant 0 : i32
    %dma_wait3A_232 = tpu.memref_slice %arg3[%add3A_57, %dma_wait3A_231] : memref<65536x1024xf32, #tpu.memory_space<hbm>> -> memref<64x1024xf32, #tpu.memory_space<hbm>>
    tpu.wait_dma2 semaphore(%arg5 : memref<!tpu.dma_semaphore, #tpu.memory_space<semaphore_mem>>) src(%arg4 : memref<64x1024xf32, #tpu.memory_space<vmem>>) dst(%dma_wait3A_232 : memref<64x1024xf32, #tpu.memory_space<hbm>>)
    %dma_wait3A_233 = arith.constant 0 : i32
    %dma_wait3A_234 = tpu.memref_slice %arg3[%add3A_63, %dma_wait3A_233] : memref<65536x1024xf32, #tpu.memory_space<hbm>> -> memref<64x1024xf32, #tpu.memory_space<hbm>>
    %dma_wait3A_235 = arith.constant 0 : i32
    %dma_wait3A_236 = tpu.memref_slice %arg3[%add3A_63, %dma_wait3A_235] : memref<65536x1024xf32, #tpu.memory_space<hbm>> -> memref<64x1024xf32, #tpu.memory_space<hbm>>
    tpu.wait_dma2 semaphore(%arg5 : memref<!tpu.dma_semaphore, #tpu.memory_space<semaphore_mem>>) src(%arg4 : memref<64x1024xf32, #tpu.memory_space<vmem>>) dst(%dma_wait3A_236 : memref<64x1024xf32, #tpu.memory_space<hbm>>)
    %dma_wait3A_237 = arith.constant 0 : i32
    %dma_wait3A_238 = tpu.memref_slice %arg3[%add3A_69, %dma_wait3A_237] : memref<65536x1024xf32, #tpu.memory_space<hbm>> -> memref<64x1024xf32, #tpu.memory_space<hbm>>
    %dma_wait3A_239 = arith.constant 0 : i32
    %dma_wait3A_240 = tpu.memref_slice %arg3[%add3A_69, %dma_wait3A_239] : memref<65536x1024xf32, #tpu.memory_space<hbm>> -> memref<64x1024xf32, #tpu.memory_space<hbm>>
    tpu.wait_dma2 semaphore(%arg5 : memref<!tpu.dma_semaphore, #tpu.memory_space<semaphore_mem>>) src(%arg4 : memref<64x1024xf32, #tpu.memory_space<vmem>>) dst(%dma_wait3A_240 : memref<64x1024xf32, #tpu.memory_space<hbm>>)
    %dma_wait3A_241 = arith.constant 0 : i32
    %dma_wait3A_242 = tpu.memref_slice %arg3[%add3A_75, %dma_wait3A_241] : memref<65536x1024xf32, #tpu.memory_space<hbm>> -> memref<64x1024xf32, #tpu.memory_space<hbm>>
    %dma_wait3A_243 = arith.constant 0 : i32
    %dma_wait3A_244 = tpu.memref_slice %arg3[%add3A_75, %dma_wait3A_243] : memref<65536x1024xf32, #tpu.memory_space<hbm>> -> memref<64x1024xf32, #tpu.memory_space<hbm>>
    tpu.wait_dma2 semaphore(%arg5 : memref<!tpu.dma_semaphore, #tpu.memory_space<semaphore_mem>>) src(%arg4 : memref<64x1024xf32, #tpu.memory_space<vmem>>) dst(%dma_wait3A_244 : memref<64x1024xf32, #tpu.memory_space<hbm>>)
    %dma_wait3A_245 = arith.constant 0 : i32
    %dma_wait3A_246 = tpu.memref_slice %arg3[%add3A_81, %dma_wait3A_245] : memref<65536x1024xf32, #tpu.memory_space<hbm>> -> memref<64x1024xf32, #tpu.memory_space<hbm>>
    %dma_wait3A_247 = arith.constant 0 : i32
    %dma_wait3A_248 = tpu.memref_slice %arg3[%add3A_81, %dma_wait3A_247] : memref<65536x1024xf32, #tpu.memory_space<hbm>> -> memref<64x1024xf32, #tpu.memory_space<hbm>>
    tpu.wait_dma2 semaphore(%arg5 : memref<!tpu.dma_semaphore, #tpu.memory_space<semaphore_mem>>) src(%arg4 : memref<64x1024xf32, #tpu.memory_space<vmem>>) dst(%dma_wait3A_248 : memref<64x1024xf32, #tpu.memory_space<hbm>>)
    %dma_wait3A_249 = arith.constant 0 : i32
    %dma_wait3A_250 = tpu.memref_slice %arg3[%add3A_87, %dma_wait3A_249] : memref<65536x1024xf32, #tpu.memory_space<hbm>> -> memref<64x1024xf32, #tpu.memory_space<hbm>>
    %dma_wait3A_251 = arith.constant 0 : i32
    %dma_wait3A_252 = tpu.memref_slice %arg3[%add3A_87, %dma_wait3A_251] : memref<65536x1024xf32, #tpu.memory_space<hbm>> -> memref<64x1024xf32, #tpu.memory_space<hbm>>
    tpu.wait_dma2 semaphore(%arg5 : memref<!tpu.dma_semaphore, #tpu.memory_space<semaphore_mem>>) src(%arg4 : memref<64x1024xf32, #tpu.memory_space<vmem>>) dst(%dma_wait3A_252 : memref<64x1024xf32, #tpu.memory_space<hbm>>)
    %dma_wait3A_253 = arith.constant 0 : i32
    %dma_wait3A_254 = tpu.memref_slice %arg3[%add3A_93, %dma_wait3A_253] : memref<65536x1024xf32, #tpu.memory_space<hbm>> -> memref<64x1024xf32, #tpu.memory_space<hbm>>
    %dma_wait3A_255 = arith.constant 0 : i32
    %dma_wait3A_256 = tpu.memref_slice %arg3[%add3A_93, %dma_wait3A_255] : memref<65536x1024xf32, #tpu.memory_space<hbm>> -> memref<64x1024xf32, #tpu.memory_space<hbm>>
    tpu.wait_dma2 semaphore(%arg5 : memref<!tpu.dma_semaphore, #tpu.memory_space<semaphore_mem>>) src(%arg4 : memref<64x1024xf32, #tpu.memory_space<vmem>>) dst(%dma_wait3A_256 : memref<64x1024xf32, #tpu.memory_space<hbm>>)
    %dma_wait3A_257 = arith.constant 0 : i32
    %dma_wait3A_258 = tpu.memref_slice %arg3[%add3A_99, %dma_wait3A_257] : memref<65536x1024xf32, #tpu.memory_space<hbm>> -> memref<64x1024xf32, #tpu.memory_space<hbm>>
    %dma_wait3A_259 = arith.constant 0 : i32
    %dma_wait3A_260 = tpu.memref_slice %arg3[%add3A_99, %dma_wait3A_259] : memref<65536x1024xf32, #tpu.memory_space<hbm>> -> memref<64x1024xf32, #tpu.memory_space<hbm>>
    tpu.wait_dma2 semaphore(%arg5 : memref<!tpu.dma_semaphore, #tpu.memory_space<semaphore_mem>>) src(%arg4 : memref<64x1024xf32, #tpu.memory_space<vmem>>) dst(%dma_wait3A_260 : memref<64x1024xf32, #tpu.memory_space<hbm>>)
    %dma_wait3A_261 = arith.constant 0 : i32
    %dma_wait3A_262 = tpu.memref_slice %arg3[%add3A_105, %dma_wait3A_261] : memref<65536x1024xf32, #tpu.memory_space<hbm>> -> memref<64x1024xf32, #tpu.memory_space<hbm>>
    %dma_wait3A_263 = arith.constant 0 : i32
    %dma_wait3A_264 = tpu.memref_slice %arg3[%add3A_105, %dma_wait3A_263] : memref<65536x1024xf32, #tpu.memory_space<hbm>> -> memref<64x1024xf32, #tpu.memory_space<hbm>>
    tpu.wait_dma2 semaphore(%arg5 : memref<!tpu.dma_semaphore, #tpu.memory_space<semaphore_mem>>) src(%arg4 : memref<64x1024xf32, #tpu.memory_space<vmem>>) dst(%dma_wait3A_264 : memref<64x1024xf32, #tpu.memory_space<hbm>>)
    %dma_wait3A_265 = arith.constant 0 : i32
    %dma_wait3A_266 = tpu.memref_slice %arg3[%add3A_111, %dma_wait3A_265] : memref<65536x1024xf32, #tpu.memory_space<hbm>> -> memref<64x1024xf32, #tpu.memory_space<hbm>>
    %dma_wait3A_267 = arith.constant 0 : i32
    %dma_wait3A_268 = tpu.memref_slice %arg3[%add3A_111, %dma_wait3A_267] : memref<65536x1024xf32, #tpu.memory_space<hbm>> -> memref<64x1024xf32, #tpu.memory_space<hbm>>
    tpu.wait_dma2 semaphore(%arg5 : memref<!tpu.dma_semaphore, #tpu.memory_space<semaphore_mem>>) src(%arg4 : memref<64x1024xf32, #tpu.memory_space<vmem>>) dst(%dma_wait3A_268 : memref<64x1024xf32, #tpu.memory_space<hbm>>)
    %dma_wait3A_269 = arith.constant 0 : i32
    %dma_wait3A_270 = tpu.memref_slice %arg3[%add3A_117, %dma_wait3A_269] : memref<65536x1024xf32, #tpu.memory_space<hbm>> -> memref<64x1024xf32, #tpu.memory_space<hbm>>
    %dma_wait3A_271 = arith.constant 0 : i32
    %dma_wait3A_272 = tpu.memref_slice %arg3[%add3A_117, %dma_wait3A_271] : memref<65536x1024xf32, #tpu.memory_space<hbm>> -> memref<64x1024xf32, #tpu.memory_space<hbm>>
    tpu.wait_dma2 semaphore(%arg5 : memref<!tpu.dma_semaphore, #tpu.memory_space<semaphore_mem>>) src(%arg4 : memref<64x1024xf32, #tpu.memory_space<vmem>>) dst(%dma_wait3A_272 : memref<64x1024xf32, #tpu.memory_space<hbm>>)
    %dma_wait3A_273 = arith.constant 0 : i32
    %dma_wait3A_274 = tpu.memref_slice %arg3[%add3A_123, %dma_wait3A_273] : memref<65536x1024xf32, #tpu.memory_space<hbm>> -> memref<64x1024xf32, #tpu.memory_space<hbm>>
    %dma_wait3A_275 = arith.constant 0 : i32
    %dma_wait3A_276 = tpu.memref_slice %arg3[%add3A_123, %dma_wait3A_275] : memref<65536x1024xf32, #tpu.memory_space<hbm>> -> memref<64x1024xf32, #tpu.memory_space<hbm>>
    tpu.wait_dma2 semaphore(%arg5 : memref<!tpu.dma_semaphore, #tpu.memory_space<semaphore_mem>>) src(%arg4 : memref<64x1024xf32, #tpu.memory_space<vmem>>) dst(%dma_wait3A_276 : memref<64x1024xf32, #tpu.memory_space<hbm>>)
    %dma_wait3A_277 = arith.constant 0 : i32
    %dma_wait3A_278 = tpu.memref_slice %arg3[%add3A_129, %dma_wait3A_277] : memref<65536x1024xf32, #tpu.memory_space<hbm>> -> memref<64x1024xf32, #tpu.memory_space<hbm>>
    %dma_wait3A_279 = arith.constant 0 : i32
    %dma_wait3A_280 = tpu.memref_slice %arg3[%add3A_129, %dma_wait3A_279] : memref<65536x1024xf32, #tpu.memory_space<hbm>> -> memref<64x1024xf32, #tpu.memory_space<hbm>>
    tpu.wait_dma2 semaphore(%arg5 : memref<!tpu.dma_semaphore, #tpu.memory_space<semaphore_mem>>) src(%arg4 : memref<64x1024xf32, #tpu.memory_space<vmem>>) dst(%dma_wait3A_280 : memref<64x1024xf32, #tpu.memory_space<hbm>>)
    %dma_wait3A_281 = arith.constant 0 : i32
    %dma_wait3A_282 = tpu.memref_slice %arg3[%add3A_135, %dma_wait3A_281] : memref<65536x1024xf32, #tpu.memory_space<hbm>> -> memref<64x1024xf32, #tpu.memory_space<hbm>>
    %dma_wait3A_283 = arith.constant 0 : i32
    %dma_wait3A_284 = tpu.memref_slice %arg3[%add3A_135, %dma_wait3A_283] : memref<65536x1024xf32, #tpu.memory_space<hbm>> -> memref<64x1024xf32, #tpu.memory_space<hbm>>
    tpu.wait_dma2 semaphore(%arg5 : memref<!tpu.dma_semaphore, #tpu.memory_space<semaphore_mem>>) src(%arg4 : memref<64x1024xf32, #tpu.memory_space<vmem>>) dst(%dma_wait3A_284 : memref<64x1024xf32, #tpu.memory_space<hbm>>)
    %dma_wait3A_285 = arith.constant 0 : i32
    %dma_wait3A_286 = tpu.memref_slice %arg3[%add3A_141, %dma_wait3A_285] : memref<65536x1024xf32, #tpu.memory_space<hbm>> -> memref<64x1024xf32, #tpu.memory_space<hbm>>
    %dma_wait3A_287 = arith.constant 0 : i32
    %dma_wait3A_288 = tpu.memref_slice %arg3[%add3A_141, %dma_wait3A_287] : memref<65536x1024xf32, #tpu.memory_space<hbm>> -> memref<64x1024xf32, #tpu.memory_space<hbm>>
    tpu.wait_dma2 semaphore(%arg5 : memref<!tpu.dma_semaphore, #tpu.memory_space<semaphore_mem>>) src(%arg4 : memref<64x1024xf32, #tpu.memory_space<vmem>>) dst(%dma_wait3A_288 : memref<64x1024xf32, #tpu.memory_space<hbm>>)
    %dma_wait3A_289 = arith.constant 0 : i32
    %dma_wait3A_290 = tpu.memref_slice %arg3[%add3A_147, %dma_wait3A_289] : memref<65536x1024xf32, #tpu.memory_space<hbm>> -> memref<64x1024xf32, #tpu.memory_space<hbm>>
    %dma_wait3A_291 = arith.constant 0 : i32
    %dma_wait3A_292 = tpu.memref_slice %arg3[%add3A_147, %dma_wait3A_291] : memref<65536x1024xf32, #tpu.memory_space<hbm>> -> memref<64x1024xf32, #tpu.memory_space<hbm>>
    tpu.wait_dma2 semaphore(%arg5 : memref<!tpu.dma_semaphore, #tpu.memory_space<semaphore_mem>>) src(%arg4 : memref<64x1024xf32, #tpu.memory_space<vmem>>) dst(%dma_wait3A_292 : memref<64x1024xf32, #tpu.memory_space<hbm>>)
    %dma_wait3A_293 = arith.constant 0 : i32
    %dma_wait3A_294 = tpu.memref_slice %arg3[%add3A_153, %dma_wait3A_293] : memref<65536x1024xf32, #tpu.memory_space<hbm>> -> memref<64x1024xf32, #tpu.memory_space<hbm>>
    %dma_wait3A_295 = arith.constant 0 : i32
    %dma_wait3A_296 = tpu.memref_slice %arg3[%add3A_153, %dma_wait3A_295] : memref<65536x1024xf32, #tpu.memory_space<hbm>> -> memref<64x1024xf32, #tpu.memory_space<hbm>>
    tpu.wait_dma2 semaphore(%arg5 : memref<!tpu.dma_semaphore, #tpu.memory_space<semaphore_mem>>) src(%arg4 : memref<64x1024xf32, #tpu.memory_space<vmem>>) dst(%dma_wait3A_296 : memref<64x1024xf32, #tpu.memory_space<hbm>>)
    %dma_wait3A_297 = arith.constant 0 : i32
    %dma_wait3A_298 = tpu.memref_slice %arg3[%add3A_159, %dma_wait3A_297] : memref<65536x1024xf32, #tpu.memory_space<hbm>> -> memref<64x1024xf32, #tpu.memory_space<hbm>>
    %dma_wait3A_299 = arith.constant 0 : i32
    %dma_wait3A_300 = tpu.memref_slice %arg3[%add3A_159, %dma_wait3A_299] : memref<65536x1024xf32, #tpu.memory_space<hbm>> -> memref<64x1024xf32, #tpu.memory_space<hbm>>
    tpu.wait_dma2 semaphore(%arg5 : memref<!tpu.dma_semaphore, #tpu.memory_space<semaphore_mem>>) src(%arg4 : memref<64x1024xf32, #tpu.memory_space<vmem>>) dst(%dma_wait3A_300 : memref<64x1024xf32, #tpu.memory_space<hbm>>)
    %dma_wait3A_301 = arith.constant 0 : i32
    %dma_wait3A_302 = tpu.memref_slice %arg3[%add3A_165, %dma_wait3A_301] : memref<65536x1024xf32, #tpu.memory_space<hbm>> -> memref<64x1024xf32, #tpu.memory_space<hbm>>
    %dma_wait3A_303 = arith.constant 0 : i32
    %dma_wait3A_304 = tpu.memref_slice %arg3[%add3A_165, %dma_wait3A_303] : memref<65536x1024xf32, #tpu.memory_space<hbm>> -> memref<64x1024xf32, #tpu.memory_space<hbm>>
    tpu.wait_dma2 semaphore(%arg5 : memref<!tpu.dma_semaphore, #tpu.memory_space<semaphore_mem>>) src(%arg4 : memref<64x1024xf32, #tpu.memory_space<vmem>>) dst(%dma_wait3A_304 : memref<64x1024xf32, #tpu.memory_space<hbm>>)
    %dma_wait3A_305 = arith.constant 0 : i32
    %dma_wait3A_306 = tpu.memref_slice %arg3[%add3A_171, %dma_wait3A_305] : memref<65536x1024xf32, #tpu.memory_space<hbm>> -> memref<64x1024xf32, #tpu.memory_space<hbm>>
    %dma_wait3A_307 = arith.constant 0 : i32
    %dma_wait3A_308 = tpu.memref_slice %arg3[%add3A_171, %dma_wait3A_307] : memref<65536x1024xf32, #tpu.memory_space<hbm>> -> memref<64x1024xf32, #tpu.memory_space<hbm>>
    tpu.wait_dma2 semaphore(%arg5 : memref<!tpu.dma_semaphore, #tpu.memory_space<semaphore_mem>>) src(%arg4 : memref<64x1024xf32, #tpu.memory_space<vmem>>) dst(%dma_wait3A_308 : memref<64x1024xf32, #tpu.memory_space<hbm>>)
    %dma_wait3A_309 = arith.constant 0 : i32
    %dma_wait3A_310 = tpu.memref_slice %arg3[%add3A_177, %dma_wait3A_309] : memref<65536x1024xf32, #tpu.memory_space<hbm>> -> memref<64x1024xf32, #tpu.memory_space<hbm>>
    %dma_wait3A_311 = arith.constant 0 : i32
    %dma_wait3A_312 = tpu.memref_slice %arg3[%add3A_177, %dma_wait3A_311] : memref<65536x1024xf32, #tpu.memory_space<hbm>> -> memref<64x1024xf32, #tpu.memory_space<hbm>>
    tpu.wait_dma2 semaphore(%arg5 : memref<!tpu.dma_semaphore, #tpu.memory_space<semaphore_mem>>) src(%arg4 : memref<64x1024xf32, #tpu.memory_space<vmem>>) dst(%dma_wait3A_312 : memref<64x1024xf32, #tpu.memory_space<hbm>>)
    %dma_wait3A_313 = arith.constant 0 : i32
    %dma_wait3A_314 = tpu.memref_slice %arg3[%add3A_183, %dma_wait3A_313] : memref<65536x1024xf32, #tpu.memory_space<hbm>> -> memref<64x1024xf32, #tpu.memory_space<hbm>>
    %dma_wait3A_315 = arith.constant 0 : i32
    %dma_wait3A_316 = tpu.memref_slice %arg3[%add3A_183, %dma_wait3A_315] : memref<65536x1024xf32, #tpu.memory_space<hbm>> -> memref<64x1024xf32, #tpu.memory_space<hbm>>
    tpu.wait_dma2 semaphore(%arg5 : memref<!tpu.dma_semaphore, #tpu.memory_space<semaphore_mem>>) src(%arg4 : memref<64x1024xf32, #tpu.memory_space<vmem>>) dst(%dma_wait3A_316 : memref<64x1024xf32, #tpu.memory_space<hbm>>)
    %dma_wait3A_317 = arith.constant 0 : i32
    %dma_wait3A_318 = tpu.memref_slice %arg3[%add3A_189, %dma_wait3A_317] : memref<65536x1024xf32, #tpu.memory_space<hbm>> -> memref<64x1024xf32, #tpu.memory_space<hbm>>
    %dma_wait3A_319 = arith.constant 0 : i32
    %dma_wait3A_320 = tpu.memref_slice %arg3[%add3A_189, %dma_wait3A_319] : memref<65536x1024xf32, #tpu.memory_space<hbm>> -> memref<64x1024xf32, #tpu.memory_space<hbm>>
    tpu.wait_dma2 semaphore(%arg5 : memref<!tpu.dma_semaphore, #tpu.memory_space<semaphore_mem>>) src(%arg4 : memref<64x1024xf32, #tpu.memory_space<vmem>>) dst(%dma_wait3A_320 : memref<64x1024xf32, #tpu.memory_space<hbm>>)
    return
  }
}

module attributes {stable_mosaic.version = 14 : i64} {
  func.func @_vq_body(%arg0: i32, %arg1: memref<32x8x2048xf32, #tpu.memory_space<vmem>>, %arg2: memref<1024x32xf32, #tpu.memory_space<vmem>>, %arg3: memref<2048x1024xf32, #tpu.memory_space<vmem>>, %arg4: memref<32x8x2048xf32, #tpu.memory_space<vmem>>, %arg5: memref<2048x1xi32, #tpu.memory_space<vmem>>, %arg6: memref<1x1xf32, #tpu.memory_space<vmem>>, %arg7: memref<1x1xf32, #tpu.memory_space<vmem>>, %arg8: memref<1x1xf32, #tpu.memory_space<vmem>>, %arg9: memref<1x1024xf32, #tpu.memory_space<vmem>>) attributes {dimension_semantics = [#tpu.dimension_semantics<arbitrary>], iteration_bounds = array<i64: 32>, scalar_prefetch = 0 : i64, scratch_operands = 2 : i64, tpu.core_type = #tpu.core_type<tc>, window_params = [{transform_indices = @transform_0, window_bounds = array<i64: 32, 8, 2048>}, {pipeline_mode = #tpu.pipeline_mode<synchronous>, transform_indices = @transform_1, window_bounds = array<i64: 1024, 32>}, {transform_indices = @transform_2, window_bounds = array<i64: 2048, 1024>}, {transform_indices = @transform_3, window_bounds = array<i64: 32, 8, 2048>}, {transform_indices = @transform_4, window_bounds = array<i64: 2048, 1>}, {pipeline_mode = #tpu.pipeline_mode<synchronous>, transform_indices = @transform_5, window_bounds = array<i64: 1, 1>}, {pipeline_mode = #tpu.pipeline_mode<synchronous>, transform_indices = @transform_6, window_bounds = array<i64: 1, 1>}]} {
    %jit3A = arith.constant 8 : i32
    %eq3A = arith.constant 0 : i32
    %eq3A_0 = arith.cmpi eq, %jit3A, %eq3A : i32
    %jit3A_1 = arith.constant 1 : i32
    %select_n3A = arith.select %eq3A_0, %jit3A_1, %jit3A : i32
    %rem3A = arith.remsi %arg0, %select_n3A : i32
    %ne3A = arith.constant 0 : i32
    %ne3A_2 = arith.cmpi ne, %rem3A, %ne3A : i32
    %lt3A = arith.constant 0 : i32
    %lt3A_3 = arith.cmpi slt, %rem3A, %lt3A : i32
    %lt3A_4 = arith.constant 0 : i32
    %lt3A_5 = arith.cmpi slt, %select_n3A, %lt3A_4 : i32
    %ne3A_6 = arith.xori %lt3A_3, %lt3A_5 : i1
    %and3A = arith.andi %ne3A_6, %ne3A_2 : i1
    %add3A = arith.addi %rem3A, %select_n3A : i32
    %select_n3A_7 = arith.select %and3A, %add3A, %rem3A : i32
    %get3A = arith.constant 0 : index
    %get3A_8 = arith.index_cast %select_n3A_7 : i32 to index
    %get3A_9 = arith.constant 0 : index
    %get3A_10 = vector.load %arg1[%get3A, %get3A_8, %get3A_9] : memref<32x8x2048xf32, #tpu.memory_space<vmem>>, vector<32x1x2048xf32>
    %get3A_11 = vector.shape_cast %get3A_10 : vector<32x1x2048xf32> to vector<32x2048xf32>
    %get3A_12 = arith.constant 0 : index
    %get3A_13 = arith.constant 0 : index
    %get3A_14 = vector.load %arg2[%get3A_12, %get3A_13] : memref<1024x32xf32, #tpu.memory_space<vmem>>, vector<1024x32xf32>
    %mul3A = arith.constant -2.000000e+00 : f32
    %mul3A_15 = vector.broadcast %mul3A : f32 to vector<1024x32xf32>
    %mul3A_16 = arith.mulf %mul3A_15, %get3A_14 : vector<1024x32xf32>
    %mul3A_17 = arith.mulf %get3A_11, %get3A_11 : vector<32x2048xf32>
    %reduce_sum3A = arith.constant dense<0.000000e+00> : vector<2048xf32>
    %reduce_sum3A_18 = vector.multi_reduction <add>, %mul3A_17, %reduce_sum3A [0] : vector<32x2048xf32> to vector<2048xf32>
    %broadcast_in_dim3A = vector.shape_cast %reduce_sum3A_18 : vector<2048xf32> to vector<2048x1xf32>
    %mul3A_19 = arith.mulf %get3A_14, %get3A_14 : vector<1024x32xf32>
    %reduce_sum3A_20 = arith.constant dense<0.000000e+00> : vector<1024xf32>
    %reduce_sum3A_21 = vector.multi_reduction <add>, %mul3A_19, %reduce_sum3A_20 [1] : vector<1024x32xf32> to vector<1024xf32>
    %broadcast_in_dim3A_22 = vector.shape_cast %reduce_sum3A_21 : vector<1024xf32> to vector<1x1024xf32>
    %dot_general3A = arith.constant dense<0.000000e+00> : vector<2048x1024xf32>
    %dot_general3A_23 = tpu.matmul %get3A_11, %mul3A_16, %dot_general3A {dimension_numbers = #tpu.dot_dimension_numbers<[0], [1], [1], [0], [0, 1, 1, 0], [], []>, transpose_lhs_hint = false} : vector<32x2048xf32>, vector<1024x32xf32>, vector<2048x1024xf32> -> vector<2048x1024xf32>
    %add3A_24 = vector.broadcast %broadcast_in_dim3A : vector<2048x1xf32> to vector<2048x1024xf32>
    %add3A_25 = vector.broadcast %broadcast_in_dim3A_22 : vector<1x1024xf32> to vector<2048x1024xf32>
    %add3A_26 = arith.addf %add3A_24, %add3A_25 : vector<2048x1024xf32>
    %add3A_27 = arith.addf %add3A_26, %dot_general3A_23 : vector<2048x1024xf32>
    %swap3A = arith.constant 0 : index
    %swap3A_28 = arith.constant 0 : index
    %swap3A_29 = vector.load %arg3[%swap3A, %swap3A_28] : memref<2048x1024xf32, #tpu.memory_space<vmem>>, vector<2048x1024xf32>
    tpu.vector_store %arg3[%swap3A, %swap3A_28], %add3A_27 {strides = array<i32>} : memref<2048x1024xf32, #tpu.memory_space<vmem>>, vector<2048x1024xf32>,
    %reduce_min3A = arith.constant dense<0x7F800000> : vector<2048xf32>
    %reduce_min3A_30 = vector.multi_reduction <minimumf>, %add3A_27, %reduce_min3A [1] : vector<2048x1024xf32> to vector<2048xf32>
    %broadcast_in_dim3A_31 = vector.shape_cast %reduce_min3A_30 : vector<2048xf32> to vector<2048x1xf32>
    %iota3A = tpu.iota {dimensions = array<i32: 1>} : vector<2048x1024xi32>
    %eq3A_32 = vector.broadcast %broadcast_in_dim3A_31 : vector<2048x1xf32> to vector<2048x1024xf32>
    %eq3A_33 = arith.cmpf oeq, %add3A_27, %eq3A_32 : vector<2048x1024xf32>
    %jit3A_34 = arith.constant 1024 : i32
    %broadcast_in_dim3A_35 = vector.broadcast %jit3A_34 : i32 to vector<2048x1024xi32>
    %select_n3A_36 = arith.select %eq3A_33, %iota3A, %broadcast_in_dim3A_35 : vector<2048x1024xi1>, vector<2048x1024xi32>
    %reduce_min3A_37 = arith.constant dense<2147483647> : vector<2048xi32>
    %reduce_min3A_38 = vector.multi_reduction <minsi>, %select_n3A_36, %reduce_min3A_37 [1] : vector<2048x1024xi32> to vector<2048xi32>
    %broadcast_in_dim3A_39 = vector.shape_cast %reduce_min3A_38 : vector<2048xi32> to vector<2048x1xi32>
    %eq3A_40 = vector.broadcast %broadcast_in_dim3A_39 : vector<2048x1xi32> to vector<2048x1024xi32>
    %eq3A_41 = arith.cmpi eq, %iota3A, %eq3A_40 : vector<2048x1024xi32>
    %convert_element_type3A = arith.extui %eq3A_41 : vector<2048x1024xi1> to vector<2048x1024xi32>
    %convert_element_type3A_42 = arith.sitofp %convert_element_type3A : vector<2048x1024xi32> to vector<2048x1024xf32>
    %broadcast_in_dim3A_43 = vector.shape_cast %reduce_min3A_38 : vector<2048xi32> to vector<2048x1xi32>
    %swap3A_44 = arith.constant 0 : index
    %swap3A_45 = arith.constant 0 : index
    %swap3A_46 = vector.load %arg5[%swap3A_44, %swap3A_45] : memref<2048x1xi32, #tpu.memory_space<vmem>>, vector<2048x1xi32>
    tpu.vector_store %arg5[%swap3A_44, %swap3A_45], %broadcast_in_dim3A_43 {strides = array<i32>} : memref<2048x1xi32, #tpu.memory_space<vmem>>, vector<2048x1xi32>,
    %dot_general3A_47 = arith.constant dense<0.000000e+00> : vector<32x2048xf32>
    %dot_general3A_48 = tpu.matmul %get3A_14, %convert_element_type3A_42, %dot_general3A_47 {dimension_numbers = #tpu.dot_dimension_numbers<[0], [1], [1], [0], [0, 1, 1, 0], [], []>, transpose_lhs_hint = false} : vector<1024x32xf32>, vector<2048x1024xf32>, vector<32x2048xf32> -> vector<32x2048xf32>
    %swap3A_49 = arith.constant 0 : index
    %swap3A_50 = arith.index_cast %select_n3A_7 : i32 to index
    %swap3A_51 = arith.constant 0 : index
    %swap3A_52 = vector.load %arg4[%swap3A_49, %swap3A_50, %swap3A_51] : memref<32x8x2048xf32, #tpu.memory_space<vmem>>, vector<32x1x2048xf32>
    %swap3A_53 = vector.shape_cast %swap3A_52 : vector<32x1x2048xf32> to vector<32x2048xf32>
    %swap3A_54 = vector.shape_cast %dot_general3A_48 : vector<32x2048xf32> to vector<32x1x2048xf32>
    tpu.vector_store %arg4[%swap3A_49, %swap3A_50, %swap3A_51], %swap3A_54 {strides = array<i32>} : memref<32x8x2048xf32, #tpu.memory_space<vmem>>, vector<32x1x2048xf32>,
    %broadcast_in_dim3A_55 = arith.constant 1.000000e+00 : f32
    %broadcast_in_dim3A_56 = vector.broadcast %broadcast_in_dim3A_55 : f32 to vector<1x2048xf32>
    %dot_general3A_57 = arith.constant dense<0.000000e+00> : vector<1x1024xf32>
    %dot_general3A_58 = tpu.matmul %broadcast_in_dim3A_56, %convert_element_type3A_42, %dot_general3A_57 {dimension_numbers = #tpu.dot_dimension_numbers<[1], [0], [0], [1], [0, 0, 1, 1], [], []>, transpose_lhs_hint = false} : vector<1x2048xf32>, vector<2048x1024xf32>, vector<1x1024xf32> -> vector<1x1024xf32>
    %reduce_sum3A_59 = vector.shape_cast %broadcast_in_dim3A_31 : vector<2048x1xf32> to vector<1x2048x1xf32>
    %reduce_sum3A_60 = arith.constant dense<0.000000e+00> : vector<1xf32>
    %reduce_sum3A_61 = vector.multi_reduction <add>, %reduce_sum3A_59, %reduce_sum3A_60 [1, 2] : vector<1x2048x1xf32> to vector<1xf32>
    %reduce_sum3A_62 = vector.shape_cast %reduce_sum3A_61 : vector<1xf32> to vector<1x1x1xf32>
    %reduce_sum3A_63 = vector.extract %reduce_sum3A_62[0, 0, 0] : f32 from vector<1x1x1xf32>
    %reshape3A = vector.broadcast %reduce_sum3A_63 : f32 to vector<1x1xf32>
    %eq3A_64 = arith.constant 0 : i32
    %eq3A_65 = arith.cmpi eq, %arg0, %eq3A_64 : i32
    %convert_element_type3A_66 = arith.extui %eq3A_65 : i1 to i32
    %cond3A = arith.constant 0 : i32
    %cond3A_67 = arith.cmpi ne, %convert_element_type3A_66, %cond3A : i32
    scf.if %cond3A_67 {
      %swap3A_78 = arith.constant 0 : index
      %swap3A_79 = arith.constant 0 : index
      %swap3A_80 = vector.load %arg8[%swap3A_78, %swap3A_79] : memref<1x1xf32, #tpu.memory_space<vmem>>, vector<1x1xf32>
      tpu.vector_store %arg8[%swap3A_78, %swap3A_79], %reshape3A {strides = array<i32>} : memref<1x1xf32, #tpu.memory_space<vmem>>, vector<1x1xf32>,
      %swap3A_81 = arith.constant 0 : index
      %swap3A_82 = arith.constant 0 : index
      %swap3A_83 = vector.load %arg9[%swap3A_81, %swap3A_82] : memref<1x1024xf32, #tpu.memory_space<vmem>>, vector<1x1024xf32>
      tpu.vector_store %arg9[%swap3A_81, %swap3A_82], %dot_general3A_58 {strides = array<i32>} : memref<1x1024xf32, #tpu.memory_space<vmem>>, vector<1x1024xf32>,
    } else {
    }
    %ne3A_68 = arith.constant 0 : i32
    %ne3A_69 = arith.cmpi ne, %arg0, %ne3A_68 : i32
    %convert_element_type3A_70 = arith.extui %ne3A_69 : i1 to i32
    %cond3A_71 = arith.constant 0 : i32
    %cond3A_72 = arith.cmpi ne, %convert_element_type3A_70, %cond3A_71 : i32
    scf.if %cond3A_72 {
      %get3A_78 = arith.constant 0 : index
      %get3A_79 = arith.constant 0 : index
      %get3A_80 = vector.load %arg8[%get3A_78, %get3A_79] : memref<1x1xf32, #tpu.memory_space<vmem>>, vector<1x1xf32>
      %add3A_81 = arith.addf %get3A_80, %reshape3A : vector<1x1xf32>
      %swap3A_82 = arith.constant 0 : index
      %swap3A_83 = arith.constant 0 : index
      %swap3A_84 = vector.load %arg8[%swap3A_82, %swap3A_83] : memref<1x1xf32, #tpu.memory_space<vmem>>, vector<1x1xf32>
      tpu.vector_store %arg8[%swap3A_82, %swap3A_83], %add3A_81 {strides = array<i32>} : memref<1x1xf32, #tpu.memory_space<vmem>>, vector<1x1xf32>,
      %get3A_85 = arith.constant 0 : index
      %get3A_86 = arith.constant 0 : index
      %get3A_87 = vector.load %arg9[%get3A_85, %get3A_86] : memref<1x1024xf32, #tpu.memory_space<vmem>>, vector<1x1024xf32>
      %add3A_88 = arith.addf %get3A_87, %dot_general3A_58 : vector<1x1024xf32>
      %swap3A_89 = arith.constant 0 : index
      %swap3A_90 = arith.constant 0 : index
      %swap3A_91 = vector.load %arg9[%swap3A_89, %swap3A_90] : memref<1x1024xf32, #tpu.memory_space<vmem>>, vector<1x1024xf32>
      tpu.vector_store %arg9[%swap3A_89, %swap3A_90], %add3A_88 {strides = array<i32>} : memref<1x1024xf32, #tpu.memory_space<vmem>>, vector<1x1024xf32>,
    } else {
    }
    %eq3A_73 = arith.constant 31 : i32
    %eq3A_74 = arith.cmpi eq, %arg0, %eq3A_73 : i32
    %convert_element_type3A_75 = arith.extui %eq3A_74 : i1 to i32
    %cond3A_76 = arith.constant 0 : i32
    %cond3A_77 = arith.cmpi ne, %convert_element_type3A_75, %cond3A_76 : i32
    scf.if %cond3A_77 {
      %get3A_78 = arith.constant 0 : index
      %get3A_79 = arith.constant 0 : index
      %get3A_80 = vector.load %arg8[%get3A_78, %get3A_79] : memref<1x1xf32, #tpu.memory_space<vmem>>, vector<1x1xf32>
      %mul3A_81 = arith.constant 4.76837158E-7 : f32
      %mul3A_82 = vector.broadcast %mul3A_81 : f32 to vector<1x1xf32>
      %mul3A_83 = arith.mulf %get3A_80, %mul3A_82 : vector<1x1xf32>
      %mul3A_84 = arith.constant 1.250000e+00 : f32
      %mul3A_85 = vector.broadcast %mul3A_84 : f32 to vector<1x1xf32>
      %mul3A_86 = arith.mulf %mul3A_85, %mul3A_83 : vector<1x1xf32>
      %swap3A_87 = arith.constant 0 : index
      %swap3A_88 = arith.constant 0 : index
      %swap3A_89 = vector.load %arg6[%swap3A_87, %swap3A_88] : memref<1x1xf32, #tpu.memory_space<vmem>>, vector<1x1xf32>
      tpu.vector_store %arg6[%swap3A_87, %swap3A_88], %mul3A_86 {strides = array<i32>} : memref<1x1xf32, #tpu.memory_space<vmem>>, vector<1x1xf32>,
      %get3A_90 = arith.constant 0 : index
      %get3A_91 = arith.constant 0 : index
      %get3A_92 = vector.load %arg9[%get3A_90, %get3A_91] : memref<1x1024xf32, #tpu.memory_space<vmem>>, vector<1x1024xf32>
      %mul3A_93 = arith.constant 1.52587891E-5 : f32
      %mul3A_94 = vector.broadcast %mul3A_93 : f32 to vector<1x1024xf32>
      %mul3A_95 = arith.mulf %get3A_92, %mul3A_94 : vector<1x1024xf32>
      %add3A_96 = arith.constant 1.000000e-10 : f32
      %add3A_97 = vector.broadcast %add3A_96 : f32 to vector<1x1024xf32>
      %add3A_98 = arith.addf %mul3A_95, %add3A_97 : vector<1x1024xf32>
      %log3A = math.log %add3A_98 : vector<1x1024xf32>
      %mul3A_99 = arith.mulf %mul3A_95, %log3A : vector<1x1024xf32>
      %reduce_sum3A_100 = vector.shape_cast %mul3A_99 : vector<1x1024xf32> to vector<1x1x1024xf32>
      %reduce_sum3A_101 = arith.constant dense<0.000000e+00> : vector<1xf32>
      %reduce_sum3A_102 = vector.multi_reduction <add>, %reduce_sum3A_100, %reduce_sum3A_101 [1, 2] : vector<1x1x1024xf32> to vector<1xf32>
      %reduce_sum3A_103 = vector.shape_cast %reduce_sum3A_102 : vector<1xf32> to vector<1x1x1xf32>
      %reduce_sum3A_104 = vector.extract %reduce_sum3A_103[0, 0, 0] : f32 from vector<1x1x1xf32>
      %neg3A = arith.constant 0.000000e+00 : f32
      %neg3A_105 = arith.subf %neg3A, %reduce_sum3A_104 : f32
      %exp3A = math.exp %neg3A_105 : f32
      %reshape3A_106 = vector.broadcast %exp3A : f32 to vector<1x1xf32>
      %swap3A_107 = arith.constant 0 : index
      %swap3A_108 = arith.constant 0 : index
      %swap3A_109 = vector.load %arg7[%swap3A_107, %swap3A_108] : memref<1x1xf32, #tpu.memory_space<vmem>>, vector<1x1xf32>
      tpu.vector_store %arg7[%swap3A_107, %swap3A_108], %reshape3A_106 {strides = array<i32>} : memref<1x1xf32, #tpu.memory_space<vmem>>, vector<1x1xf32>,
    } else {
    }
    return
  }
  func.func @transform_0(%arg0: i32) -> (i32, i32, i32) {
    %jit3A = arith.constant 8 : i32
    %div3A = arith.divsi %arg0, %jit3A : i32
    %sign3A = arith.constant 0 : i32
    %sign3A_0 = arith.cmpi sgt, %arg0, %sign3A : i32
    %sign3A_1 = arith.extui %sign3A_0 : i1 to i32
    %sign3A_2 = arith.constant 0 : i32
    %sign3A_3 = arith.cmpi slt, %arg0, %sign3A_2 : i32
    %sign3A_4 = arith.extui %sign3A_3 : i1 to i32
    %sign3A_5 = arith.subi %sign3A_1, %sign3A_4 : i32
    %sign3A_6 = arith.constant 0 : i32
    %sign3A_7 = arith.cmpi sgt, %jit3A, %sign3A_6 : i32
    %sign3A_8 = arith.extui %sign3A_7 : i1 to i32
    %sign3A_9 = arith.constant 0 : i32
    %sign3A_10 = arith.cmpi slt, %jit3A, %sign3A_9 : i32
    %sign3A_11 = arith.extui %sign3A_10 : i1 to i32
    %sign3A_12 = arith.subi %sign3A_8, %sign3A_11 : i32
    %ne3A = arith.cmpi ne, %sign3A_5, %sign3A_12 : i32
    %rem3A = arith.remsi %arg0, %jit3A : i32
    %ne3A_13 = arith.constant 0 : i32
    %ne3A_14 = arith.cmpi ne, %rem3A, %ne3A_13 : i32
    %and3A = arith.andi %ne3A, %ne3A_14 : i1
    %sub3A = arith.constant 1 : i32
    %sub3A_15 = arith.subi %div3A, %sub3A : i32
    %select_n3A = arith.select %and3A, %sub3A_15, %div3A : i32
    %c0_i32 = arith.constant 0 : i32
    %c0_i32_16 = arith.constant 0 : i32
    %c0_i32_17 = arith.constant 0 : i32
    return %c0_i32, %select_n3A, %c0_i32_16 : i32, i32, i32
  }
  func.func @transform_1(%arg0: i32) -> (i32, i32) {
    %c0_i32 = arith.constant 0 : i32
    %c0_i32_0 = arith.constant 0 : i32
    %c0_i32_1 = arith.constant 0 : i32
    return %c0_i32, %c0_i32_0 : i32, i32
  }
  func.func @transform_2(%arg0: i32) -> (i32, i32) {
    %c0_i32 = arith.constant 0 : i32
    %c0_i32_0 = arith.constant 0 : i32
    return %arg0, %c0_i32 : i32, i32
  }
  func.func @transform_3(%arg0: i32) -> (i32, i32, i32) {
    %jit3A = arith.constant 8 : i32
    %div3A = arith.divsi %arg0, %jit3A : i32
    %sign3A = arith.constant 0 : i32
    %sign3A_0 = arith.cmpi sgt, %arg0, %sign3A : i32
    %sign3A_1 = arith.extui %sign3A_0 : i1 to i32
    %sign3A_2 = arith.constant 0 : i32
    %sign3A_3 = arith.cmpi slt, %arg0, %sign3A_2 : i32
    %sign3A_4 = arith.extui %sign3A_3 : i1 to i32
    %sign3A_5 = arith.subi %sign3A_1, %sign3A_4 : i32
    %sign3A_6 = arith.constant 0 : i32
    %sign3A_7 = arith.cmpi sgt, %jit3A, %sign3A_6 : i32
    %sign3A_8 = arith.extui %sign3A_7 : i1 to i32
    %sign3A_9 = arith.constant 0 : i32
    %sign3A_10 = arith.cmpi slt, %jit3A, %sign3A_9 : i32
    %sign3A_11 = arith.extui %sign3A_10 : i1 to i32
    %sign3A_12 = arith.subi %sign3A_8, %sign3A_11 : i32
    %ne3A = arith.cmpi ne, %sign3A_5, %sign3A_12 : i32
    %rem3A = arith.remsi %arg0, %jit3A : i32
    %ne3A_13 = arith.constant 0 : i32
    %ne3A_14 = arith.cmpi ne, %rem3A, %ne3A_13 : i32
    %and3A = arith.andi %ne3A, %ne3A_14 : i1
    %sub3A = arith.constant 1 : i32
    %sub3A_15 = arith.subi %div3A, %sub3A : i32
    %select_n3A = arith.select %and3A, %sub3A_15, %div3A : i32
    %c0_i32 = arith.constant 0 : i32
    %c0_i32_16 = arith.constant 0 : i32
    %c0_i32_17 = arith.constant 0 : i32
    return %c0_i32, %select_n3A, %c0_i32_16 : i32, i32, i32
  }
  func.func @transform_4(%arg0: i32) -> (i32, i32) {
    %c0_i32 = arith.constant 0 : i32
    %c0_i32_0 = arith.constant 0 : i32
    return %arg0, %c0_i32 : i32, i32
  }
  func.func @transform_5(%arg0: i32) -> (i32, i32) {
    %c0_i32 = arith.constant 0 : i32
    %c0_i32_0 = arith.constant 0 : i32
    %c0_i32_1 = arith.constant 0 : i32
    return %c0_i32, %c0_i32_0 : i32, i32
  }
  func.func @transform_6(%arg0: i32) -> (i32, i32) {
    %c0_i32 = arith.constant 0 : i32
    %c0_i32_0 = arith.constant 0 : i32
    %c0_i32_1 = arith.constant 0 : i32
    return %c0_i32, %c0_i32_0 : i32, i32
  }
}

</mosaic_0001>

<sc_bundles>
// kernel: kernel.4.cloned.1.call-start
scs
__scs_entry_jumppad:
0x0: {  	(pc) =	sbr.rel $0x88, $3  }
0x1: {  	(tag) =	ssettag $0x0;
	lr =	simm.s32 $0x1  }
0x2: {  	[smem:$0x3F9F] =	sst lr;
	_ =	strace $0xD0000000  }
0x3: {  	_ = 	snop  }
0x4: {  	_ = 	snop  }
0x5: {  	_ = 	snop  }
0x6: {  	_ = 	snop  }
0x7: {  	_ = 	snop  }
__scs_overlays_trampoline_lowered:
0x8: {  	[smem:$0x3FAE] =	sst s0  }
0x9: {  	[smem:$0x3FAF] =	sst s1  }
0xa: {  	[smem:$0x3FB0] =	sst s2  }
0xb: {  	[smem:$0x3FB1] =	sst s3  }
0xc: {  	[smem:$0x3FB2] =	sst s4  }
0xd: {  	[smem:$0x3FB3] =	sst s5  }
0xe: {  	[smem:$0x3FB4] =	sst s6  }
0xf: {  	[smem:$0x3FB5] =	sst s7  }
0x10: {  	[smem:$0x3FB6] =	sst s8  }
0x11: {  	[smem:$0x3FB7] =	sst s9;
	s0 =	simm.s32 @!p0 $0x0  }
0x12: {  	s1 =	sld [smem:$0x3F9D];
	s0 =	simm.s32 @p0 $0x1  }
0x13: {  	[smem:$0x3FB8] =	sst s0;
	s0 =	simm.s32 @!p1 $0x0  }
0x14: {  	s2 =	sld [smem:$0x3F9C];
	s0 =	simm.s32 @p1 $0x1  }
0x15: {  	[smem:$0x3FB9] =	sst s0;
	s0 =	simm.s32 @!p2 $0x0  }
0x16: {  	s3 =	sld [smem:$0x3FDB];
	s0 =	simm.s32 @p2 $0x1  }
0x17: {  	s4 =	simm.s32 $0x1BF5;
	[smem:$0x3FBB] =	sst s0  }
0x18: {  	s0 =	sld [smem:$0x3F9E];
	_ =	swait.ge [sflag:s4], $0x0  }
0x19: {  	s7 =	sld [smem:$0x3F9F]  }
0x1a: {  	s8 =	sadd.s32 $0xFFFFE003, lr  }
0x1b: {  	s9 =	sadd.s32 $0xFFFFFEF7, lr;
	s5 =	simm.s32 $0xFFFFFFFF;
	p2 =	slt.u32 s8, $0xFFFFF086  }
0x1c: {  	p1 =	slt.u32 s9, $0xF7A;
	s5 =	simm.s32 @!p2 $0x0  }
0x1d: {  	s5 =	simm.s32 @p1 $0x1;
	p0 =	seq.s32 s7, s2  }
0x1e: {  	s7 =	smul.u32 @!p0 $0xF7A, s2;
	p2 =	seq.s32 @!p0 s5, $0x0  }
0x1f: {  	s9 =	smul.u32 $0xF7A, s1;
	s8 =	simm.s32 @!p0 $0x1BF5;
	p2 =	por !p2, p0  }
0x20: {  	[sflag:s8] =	ssyncset.s32 @!p0 $0xFFFFF086;
	s6 =	sadd.s32 @!p0 s3, s7;
	s7 =	simm.s32 @!p0 $0x108  }
0x21: {  	s3 =	sadd.s32 s3, s9;
	s6 =	sadd.s32 @!p0 $0x88, s6;
	s7 =	simm.s32 @p2 $0x1082  }
0x22: {  	[simem:s7], [sflag:s8] =	dma.local @!p0 [hbm:s6], $0xF7A  }
0x23: {  	s9 =	sor.u32 $0xD0000000, s2;
	s6 =	simm.s32 $0x108;
	_ =	swait.ge @!p0 [sflag:s8], $0x0  }
0x24: {  	s3 =	sadd.s32 $0x88, s3;
	s6 =	simm.s32 @!p1 $0x1082;
	[sflag:s4] =	ssyncset.s32 $0xFFFFF086  }
0x25: {  	[simem:s6], [sflag:s4] =	dma.local [hbm:s3], $0xF7A  }
0x26: {  	[smem:$0x3F9F] =	sst s1;
	(tag) =	ssettag s2;
	_ =	strace s9  }
0x27: {  	s1 =	sld [smem:$0x3FAF]  }
0x28: {  	s2 =	sld [smem:$0x3FB0]  }
0x29: {  	s4 =	sld [smem:$0x3FB2]  }
0x2a: {  	p0 =	seq.s32 s5, $0x0;
	s5 =	sld [smem:$0x3FB3]  }
0x2b: {  	s6 =	sld [smem:$0x3FB4]  }
0x2c: {  	s7 =	sld [smem:$0x3FB5]  }
0x2d: {  	s3 =	simm.s32 $0x108;
	s8 =	sld [smem:$0x3FB6]  }
0x2e: {  	s3 =	simm.s32 @!p0 $0x1082;
	s9 =	sld [smem:$0x3FB7]  }
0x2f: {  	lr =	sadd.s32 s0, s3;
	s0 =	sld [smem:$0x3FAE]  }
0x30: {  	s3 =	sld [smem:$0x3FB1]  }
0x31: {  	[smem:$0x3FBA] =	sst s10  }
0x32: {  	s10 =	sld [smem:$0x3FB8];
	_ =	sdelay $0x3  }
0x33: {  	p0 =	seq.s32 s10, $0x1;
	s10 =	sld [smem:$0x3FBA];
	_ =	sdelay $0x3  }
0x34: {  	[smem:$0x3FBA] =	sst s10  }
0x35: {  	s10 =	sld [smem:$0x3FB9];
	_ =	sdelay $0x3  }
0x36: {  	p1 =	seq.s32 s10, $0x1;
	s10 =	sld [smem:$0x3FBA];
	_ =	sdelay $0x3  }
0x37: {  	[smem:$0x3FBA] =	sst s10  }
0x38: {  	s10 =	sld [smem:$0x3FBB]  }
0x39: {  	_ = 	snop;
	(pc) =	sbr.ind lr, $3  }
0x3a: {  	_ = 	snop  }
0x3b: {  	_ = 	snop  }
0x3c: {  	p2 =	seq.s32 s10, $0x1;
	s10 =	sld [smem:$0x3FBA]  }
0x3d: {  	_ =	shalt  }
0x3e: {  	_ =	shalt  }
0x3f: {  	_ =	shalt  }
0x40: {  	_ =	shalt  }
0x41: {  	_ =	shalt  }
0x42: {  	_ =	shalt  }
0x43: {  	_ =	shalt  }
0x44: {  	_ =	shalt  }
0x45: {  	_ =	shalt  }
0x46: {  	_ =	shalt  }
0x47: {  	_ =	shalt  }
0x48: {  	_ =	shalt  }
0x49: {  	_ =	shalt  }
0x4a: {  	_ =	shalt  }
0x4b: {  	_ =	shalt  }
0x4c: {  	_ =	shalt  }
0x4d: {  	_ =	shalt  }
0x4e: {  	_ =	shalt  }
0x4f: {  	_ =	shalt  }
0x50: {  	_ =	shalt  }
0x51: {  	_ =	shalt  }
0x52: {  	_ =	shalt  }
0x53: {  	_ =	shalt  }
0x54: {  	_ =	shalt  }
0x55: {  	_ =	shalt  }
0x56: {  	_ =	shalt  }
0x57: {  	_ =	shalt  }
0x58: {  	_ =	shalt  }
0x59: {  	_ =	shalt  }
0x5a: {  	_ =	shalt  }
0x5b: {  	_ =	shalt  }
0x5c: {  	_ =	shalt  }
0x5d: {  	_ =	shalt  }
0x5e: {  	_ =	shalt  }
0x5f: {  	_ =	shalt  }
0x60: {  	_ =	shalt  }
0x61: {  	_ =	shalt  }
0x62: {  	_ =	shalt  }
0x63: {  	_ =	shalt  }
0x64: {  	_ =	shalt  }
0x65: {  	_ =	shalt  }
0x66: {  	_ =	shalt  }
0x67: {  	_ =	shalt  }
0x68: {  	_ =	shalt  }
0x69: {  	_ =	shalt  }
0x6a: {  	_ =	shalt  }
0x6b: {  	_ =	shalt  }
0x6c: {  	_ =	shalt  }
0x6d: {  	_ =	shalt  }
0x6e: {  	_ =	shalt  }
0x6f: {  	_ =	shalt  }
0x70: {  	_ =	shalt  }
0x71: {  	_ =	shalt  }
0x72: {  	_ =	shalt  }
0x73: {  	_ =	shalt  }
0x74: {  	_ =	shalt  }
0x75: {  	_ =	shalt  }
0x76: {  	_ =	shalt  }
0x77: {  	_ =	shalt  }
0x78: {  	_ =	shalt  }
0x79: {  	_ =	shalt  }
0x7a: {  	_ =	shalt  }
0x7b: {  	_ =	shalt  }
0x7c: {  	_ =	shalt  }
0x7d: {  	_ =	shalt  }
0x7e: {  	_ =	shalt  }
0x7f: {  	_ =	shalt  }
0x80: {  	_ =	shalt  }
0x81: {  	_ =	shalt  }
0x82: {  	_ =	shalt  }
0x83: {  	_ =	shalt  }
0x84: {  	_ =	shalt  }
0x85: {  	_ =	shalt  }
0x86: {  	_ =	shalt  }
0x87: {  	_ =	shalt  }
.Lfunc_end0:
.L_simem_size_0:
called_computation_lowered:
.L_overlay_start_0:
0x88: {  	s2 =	sld [smem:$0x3FD9]  }
0x89: {  	s3 =	sld [smem:$0x3FFE];
	_ =	sdelay $0x1  }
0x8a: {  	s1 =	srdreg.scid  }
0x8b: {  	s0 =	sand.u32 $0x1, s1  }
0x8c: {  	s14 =	sshll.u32 s0, $0xA;
	s2 =	sadd.s32 s3, s2  }
0x8d: {  	s2 =	sadd.s32 s2, s14  }
0x8e: {  	[smem:$0x3FC6] =	sst s2  }
0x8f: {  	_ = 	snop  }
0x90: {  	s2 =	sld [smem:$0x3FD0];
	_ =	sdelay $0x2  }
0x91: {  	s15 =	simm.s32 $0xA;
	s4 =	simm.s32 $0x10  }
0x92: {  	[smem:s4], [sflag:s15] =	dma.local [hbm:s2], $0x1  }
0x93: {  	_ =	swait.eq [sflag:s15], $0x1  }
0x94: {  	[sflag:s15] =	ssyncset.done $0x0  }
0x95: {  	[sflag:s15] =	ssyncadd.s32 $0xFFFFFFFF  }
0x96: {  	s16 =	sld [smem:$0x13];
	(tm) =	ssettm $0x1  }
0x97: {  	s17 =	sld [smem:$0x3FFB];
	_ =	sdelay $0x3  }
0x98: {  	_ =	strace s17  }
0x99: {  	s3 =	sld [smem:$0x3FFC];
	_ =	sdelay $0x3  }
0x9a: {  	_ =	strace s3  }
0x9b: {  	s3 =	sld [smem:$0x3FFD];
	_ =	sdelay $0x3  }
0x9c: {  	_ =	strace s3  }
0x9d: {  	_ =	strace $0x8FFFFFFF  }
0x9e: {  	s18 =	sld [smem:$0x3FDB];
	_ =	sdelay $0x1  }
0x9f: {  	s19 =	simm.s32 $_scs_section_size  }
0xa0: {  	s5 =	simm.s32 $_size__tile_overlayer_lowered;
	s6 =	simm.s32 $_tile_overlayer_lowered  }
0xa1: {  	s22 =	simm.s32 $0x1BFF;
	s21 =	sshll.u32 s6, $0x1;
	s3 =	sadd.s32 s19, s18  }
0xa2: {  	s7 =	simm.s32 $0x0;
	s20 =	sshll.u32 s5, $0x1;
	s5 =	sadd.s32 s21, s3  }
0xa3: {  	[timem:s7], [sflag:s22] =	dma.local [hbm:s5], s20  }
0xa4: {  	_ =	swait.ge [sflag:s22], s20  }
0xa5: {  	s4 =	ssub.s32 $0x0, s20;
	[sflag:s22] =	ssyncset.done $0x0  }
0xa6: {  	[sflag:s22] =	ssyncadd.s32 s4;
	_ =	sdelay $0x1  }
0xa7: {  	s23 =	simm.s32 $0x1B8B  }
0xa8: {  	_ =	swait.ge [sflag:s23], $0x1  }
0xa9: {  	[sflag:s23] =	ssyncset.done $0x0  }
0xaa: {  	s25 =	simm.s32 $0x1B8E;
	s24 =	sld [smem:$0x3FFE];
	[sflag:s23] =	ssyncadd.s32 $0xFFFFFFFF  }
0xab: {  	s26 =	simm.s32 $execute0_lowered;
	[smem:$0x3FD2] =	sst s25  }
0xac: {  	s5 =	sshll.u32 s26, $0x1;
	_ =	strace $0x80000046;
	[dreg:$0x1] =	wrdreg $0xFFFFFFFF  }
0xad: {  	s28 =	simm.s32 $_size_execute0_lowered;
	s3 =	sadd.s32 s3, s5;
	[dreg:$0x0] =	wrdreg $0x0  }
0xae: {  	s5 =	sshll.u32 s28, $0x1;
	[dreg:$0x2] =	wrdreg s3  }
0xaf: {  	[dreg:$0x3] =	wrdreg s5  }
0xb0: {  	[dreg:$0x4] =	wrdreg $0xC0  }
0xb1: {  	_ =	task [dreg:s7], $0x5FFFF  }
0xb2: {  	[dreg:$0x1] =	wrdreg $0xFFFFFFFF  }
0xb3: {  	[dreg:$0x0] =	wrdreg $0x60  }
0xb4: {  	[dreg:$0x2] =	wrdreg s24  }
0xb5: {  	[dreg:$0x3] =	wrdreg s16  }
0xb6: {  	[dreg:$0x4] =	wrdreg $0x9  }
0xb7: {  	_ =	task.clear_ibuf [dreg:s7], $0x5FFFF;
	_ =	strace $0x90000046  }
0xb8: {  	s29 =	simm.s32 $0x9;
	_ =	strace $0x80000048  }
0xb9: {  	_ =	swait.ge [sflag:s29], $0x1  }
0xba: {  	[sflag:s29] =	ssyncadd.s32 $0xFFFFFFFF  }
0xbb: {  	_ =	strace $0x90000048  }
0xbc: {  	_ =	sfence  }
0xbd: {  	s30 =	sld [smem:$0x0];
	_ =	sdelay $0x2  }
0xbe: {  	s31 =	sshll.u32 s1, $0xD;
	s1 =	sshrl.u32 s1, $0x2  }
0xbf: {  	s3 =	sand.u32 $0x4000, s31;
	s1 =	sadd.s32 s1, s30  }
0xc0: {  	s0 =	sor.u32 s3, s0;
	s1 =	sshll.u32 s1, $0x11  }
0xc1: {  	s0 =	sor.u32 s1, s0  }
0xc2: {  	s0 =	sadd.s32 $0x8F2B, s0  }
0xc3: {  	[sflag:s0] =	ssyncadd.remote.s32 $0x1  }
0xc4: {  	_ =	sfence.sel $0xFFFF  }
0xc5: {  	[dreg:$0x0] =	wrdreg $0xFFFFFFFF;
	(pc) =	sbr.abs _section_cstart, $3  }
0xc6: {  	[dreg:$0x1] =	wrdreg $0xFFFFFFFF  }
0xc7: {  	_ =	task.clear_ibuf [dreg:s7], $0x2FFFF;
	_ =	strace $0x9FFFFFFF  }
0xc8: {  	(tm) =	ssettm $0x7FFFFFFF  }
0xc9: {  	_ =	shalt  }
tec
execute0_lowered:
.L_overlay_start_1:
0x0: {  	(tag) =	ssettag $0x1  }
0x1: {  	s0 =	rddreg [dreg:$0x0];
	s1 =	srdreg.scid  }
0x2: {  	s2 =	stileid.u32;
	s19 =	rddreg [dreg:$0x1];
	s3 =	simm.s32 $0x0  }
0x3: {  	p0 =	por $0x0, $0x0;
	s31 =	simm.s32 $0x2;
	s18 =	sand.u32 $0x1, s1  }
0x4: {  	[dreg:$0x3] =	wrdreg s0;
	s2 =	sshll.u32 s2, $0x13;
	s4 =	sshll.u32 s18, $0x12  }
0x5: {  	[smem:$0x7FF] =	sst s3;
	s0 =	ssub.s32 $0x2, s18;
	s2 =	sor.u32 s4, s2  }
0x6: {  	_ =	strace $0x80000047;
	s23 =	sshrl.u32 s0, $0x1;
	s6 =	sadd.s32 s19, s2  }
0x7: {  	s0 =	ssub.s32 s0, s23;
	s2 =	simm.s32 $0x1;
	s1 =	sadd.s32 $0x2000, s6  }
0x8: {  	s20 =	sadd.s32 $0x4000, s6;
	s21 =	sadd.s32 $0x6000, s6;
	s22 =	sadd.s32 $0x8000, s6  }
0x9: {  	s24 =	sadd.s32 $0xA000, s6;
	s25 =	sadd.s32 $0xC000, s6;
	s26 =	sadd.s32 $0xE000, s6  }
0xa: {  	s7 =	sadd.s32 $0x10000, s6;
	s8 =	sadd.s32 $0x12000, s6;
	s9 =	sadd.s32 $0x14000, s6  }
0xb: {  	s10 =	sadd.s32 $0x16000, s6;
	s11 =	sadd.s32 $0x18000, s6;
	s12 =	sadd.s32 $0x1A000, s6  }
0xc: {  	s13 =	sadd.s32 $0x1C000, s6;
	s14 =	sadd.s32 $0x1E000, s6;
	s15 =	sadd.s32 $0x20000, s6  }
0xd: {  	s16 =	sadd.s32 $0x22000, s6;
	s17 =	sadd.s32 $0x24000, s6;
	[dreg:$0x4] =	wrdreg s1  }
0xe: {  	s18 =	sadd.s32 $0x26000, s6;
	s19 =	sadd.s32 $0x28000, s6;
	[dreg:$0x5] =	wrdreg s20  }
0xf: {  	s23 =	sadd.s32 $0x30000, s6;
	s0 =	smax.u32 s0, $0x1;
	[dreg:$0x6] =	wrdreg s21  }
0x10: {  	s28 =	sadd.s32 $0x38000, s6;
	[dreg:$0x7] =	wrdreg s22;
	p1 =	sne.s32 s0, $0x1  }
.Ltmp0:
0x11: {  	s29 =	sadd.s32 $0x3A000, s6;
	[dreg:$0x8] =	wrdreg s24;
	(pc) =	sbr.rel @!p1 .LBB2_1-.Ltmp0, $4  }
0x12: {  	s30 =	sadd.s32 $0x3C000, s6;
	s4 =	sadd.s32 $0x3E000, s6;
	[dreg:$0x9] =	wrdreg s25  }
0x13: {  	[dreg:$0xa] =	wrdreg s26;
	s20 =	sadd.s32 $0x2A000, s6;
	s21 =	sadd.s32 $0x2C000, s6  }
0x14: {  	s22 =	sadd.s32 $0x2E000, s6;
	s24 =	sadd.s32 $0x32000, s6;
	s25 =	sadd.s32 $0x34000, s6  }
0x15: {  	s26 =	sadd.s32 $0x36000, s6;
	s5 =	sadd.s32 $0xFFFFFFFF, s0;
	s0 =	rddreg [dreg:$0x3]  }
0x16: {  	[tilespmem:s3], [sflag:$0x2] =	stream.linear.gather [hbm4b:s0+s3], $0x10000, $0x38;
	[tilespmem:$0x10000] =	vst v63  }
0x17: {  	_ =	swait.ge [sflag:s31], $0x10000  }
0x18: {  	[sflag:s31] =	ssyncset.done $0x0  }
0x19: {  	[sflag:s31] =	ssyncadd.s32 $0xFFFF0000  }
0x1a: {  	[hbm4b:s6+s3] =	stream.linear.scatter [tilespmem:s3], [sflag:$0x1], $0x10000, $0x38;
	[tilespmem:$0x10000] =	vst v63  }
0x1b: {  	s0 =	rddreg [dreg:$0x4]  }
0x1c: {  	[hbm4b:s0+s3] =	stream.linear.scatter [tilespmem:s3], [sflag:$0x1], $0x10000, $0x38;
	[tilespmem:$0x10000] =	vst v63  }
0x1d: {  	s1 =	rddreg [dreg:$0x5]  }
0x1e: {  	[hbm4b:s1+s3] =	stream.linear.scatter [tilespmem:s3], [sflag:$0x1], $0x10000, $0x38;
	[tilespmem:$0x10000] =	vst v63  }
0x1f: {  	s0 =	rddreg [dreg:$0x6]  }
0x20: {  	[hbm4b:s0+s3] =	stream.linear.scatter [tilespmem:s3], [sflag:$0x1], $0x10000, $0x38;
	[tilespmem:$0x10000] =	vst v63  }
0x21: {  	s1 =	rddreg [dreg:$0x7]  }
0x22: {  	[hbm4b:s1+s3] =	stream.linear.scatter [tilespmem:s3], [sflag:$0x1], $0x10000, $0x38;
	[tilespmem:$0x10000] =	vst v63  }
0x23: {  	s0 =	rddreg [dreg:$0x8]  }
0x24: {  	[hbm4b:s0+s3] =	stream.linear.scatter [tilespmem:s3], [sflag:$0x1], $0x10000, $0x38;
	[tilespmem:$0x10000] =	vst v63  }
0x25: {  	s1 =	rddreg [dreg:$0x9]  }
0x26: {  	[hbm4b:s1+s3] =	stream.linear.scatter [tilespmem:s3], [sflag:$0x1], $0x10000, $0x38;
	[tilespmem:$0x10000] =	vst v63  }
0x27: {  	s1 =	rddreg [dreg:$0xa]  }
0x28: {  	[hbm4b:s1+s3] =	stream.linear.scatter [tilespmem:s3], [sflag:$0x1], $0x10000, $0x38;
	[tilespmem:$0x10000] =	vst v63  }
0x29: {  	_ = 	snop  }
0x2a: {  	[hbm4b:s7+s3] =	stream.linear.scatter [tilespmem:s3], [sflag:$0x1], $0x10000, $0x38;
	[tilespmem:$0x10000] =	vst v63  }
0x2b: {  	_ = 	snop  }
0x2c: {  	[hbm4b:s8+s3] =	stream.linear.scatter [tilespmem:s3], [sflag:$0x1], $0x10000, $0x38;
	[tilespmem:$0x10000] =	vst v63  }
0x2d: {  	_ = 	snop  }
0x2e: {  	[hbm4b:s9+s3] =	stream.linear.scatter [tilespmem:s3], [sflag:$0x1], $0x10000, $0x38;
	[tilespmem:$0x10000] =	vst v63  }
0x2f: {  	_ = 	snop  }
0x30: {  	[hbm4b:s10+s3] =	stream.linear.scatter [tilespmem:s3], [sflag:$0x1], $0x10000, $0x38;
	[tilespmem:$0x10000] =	vst v63  }
0x31: {  	_ = 	snop  }
0x32: {  	[hbm4b:s11+s3] =	stream.linear.scatter [tilespmem:s3], [sflag:$0x1], $0x10000, $0x38;
	[tilespmem:$0x10000] =	vst v63  }
0x33: {  	_ = 	snop  }
0x34: {  	[hbm4b:s12+s3] =	stream.linear.scatter [tilespmem:s3], [sflag:$0x1], $0x10000, $0x38;
	[tilespmem:$0x10000] =	vst v63  }
0x35: {  	_ = 	snop  }
0x36: {  	[hbm4b:s13+s3] =	stream.linear.scatter [tilespmem:s3], [sflag:$0x1], $0x10000, $0x38;
	[tilespmem:$0x10000] =	vst v63  }
0x37: {  	_ = 	snop  }
0x38: {  	[hbm4b:s14+s3] =	stream.linear.scatter [tilespmem:s3], [sflag:$0x1], $0x10000, $0x38;
	[tilespmem:$0x10000] =	vst v63  }
0x39: {  	_ = 	snop  }
0x3a: {  	[hbm4b:s15+s3] =	stream.linear.scatter [tilespmem:s3], [sflag:$0x1], $0x10000, $0x38;
	[tilespmem:$0x10000] =	vst v63  }
0x3b: {  	_ = 	snop  }
0x3c: {  	[hbm4b:s16+s3] =	stream.linear.scatter [tilespmem:s3], [sflag:$0x1], $0x10000, $0x38;
	[tilespmem:$0x10000] =	vst v63  }
0x3d: {  	_ = 	snop  }
0x3e: {  	[hbm4b:s17+s3] =	stream.linear.scatter [tilespmem:s3], [sflag:$0x1], $0x10000, $0x38;
	[tilespmem:$0x10000] =	vst v63  }
0x3f: {  	_ = 	snop  }
0x40: {  	[hbm4b:s18+s3] =	stream.linear.scatter [tilespmem:s3], [sflag:$0x1], $0x10000, $0x38;
	[tilespmem:$0x10000] =	vst v63  }
0x41: {  	_ = 	snop  }
0x42: {  	[hbm4b:s19+s3] =	stream.linear.scatter [tilespmem:s3], [sflag:$0x1], $0x10000, $0x38;
	[tilespmem:$0x10000] =	vst v63  }
0x43: {  	_ = 	snop  }
0x44: {  	[hbm4b:s20+s3] =	stream.linear.scatter [tilespmem:s3], [sflag:$0x1], $0x10000, $0x38;
	[tilespmem:$0x10000] =	vst v63  }
0x45: {  	_ = 	snop  }
0x46: {  	[hbm4b:s21+s3] =	stream.linear.scatter [tilespmem:s3], [sflag:$0x1], $0x10000, $0x38;
	[tilespmem:$0x10000] =	vst v63  }
0x47: {  	_ = 	snop  }
0x48: {  	[hbm4b:s22+s3] =	stream.linear.scatter [tilespmem:s3], [sflag:$0x1], $0x10000, $0x38;
	[tilespmem:$0x10000] =	vst v63  }
0x49: {  	_ = 	snop  }
0x4a: {  	[hbm4b:s23+s3] =	stream.linear.scatter [tilespmem:s3], [sflag:$0x1], $0x10000, $0x38;
	[tilespmem:$0x10000] =	vst v63  }
0x4b: {  	_ = 	snop  }
0x4c: {  	[hbm4b:s24+s3] =	stream.linear.scatter [tilespmem:s3], [sflag:$0x1], $0x10000, $0x38;
	[tilespmem:$0x10000] =	vst v63  }
0x4d: {  	_ = 	snop  }
0x4e: {  	[hbm4b:s25+s3] =	stream.linear.scatter [tilespmem:s3], [sflag:$0x1], $0x10000, $0x38;
	[tilespmem:$0x10000] =	vst v63  }
0x4f: {  	_ = 	snop  }
0x50: {  	[hbm4b:s26+s3] =	stream.linear.scatter [tilespmem:s3], [sflag:$0x1], $0x10000, $0x38;
	[tilespmem:$0x10000] =	vst v63  }
0x51: {  	_ = 	snop  }
0x52: {  	[hbm4b:s28+s3] =	stream.linear.scatter [tilespmem:s3], [sflag:$0x1], $0x10000, $0x38;
	[tilespmem:$0x10000] =	vst v63  }
0x53: {  	_ = 	snop  }
0x54: {  	[hbm4b:s29+s3] =	stream.linear.scatter [tilespmem:s3], [sflag:$0x1], $0x10000, $0x38;
	[tilespmem:$0x10000] =	vst v63  }
0x55: {  	_ = 	snop  }
0x56: {  	[hbm4b:s30+s3] =	stream.linear.scatter [tilespmem:s3], [sflag:$0x1], $0x10000, $0x38;
	[tilespmem:$0x10000] =	vst v63  }
0x57: {  	_ = 	snop  }
0x58: {  	[hbm4b:s4+s3] =	stream.linear.scatter [tilespmem:s3], [sflag:$0x1], $0x10000, $0x38;
	[tilespmem:$0x10000] =	vst v63  }
0x59: {  	_ =	swait.ge [sflag:s2], $0x10000  }
0x5a: {  	[sflag:s2] =	ssyncset.done $0x0  }
0x5b: {  	[sflag:s2] =	ssyncadd.s32 $0xFFFF0000  }
0x5c: {  	_ =	swait.ge [sflag:s2], $0x10000  }
0x5d: {  	[sflag:s2] =	ssyncset.done $0x0  }
0x5e: {  	[sflag:s2] =	ssyncadd.s32 $0xFFFF0000  }
0x5f: {  	_ =	swait.ge [sflag:s2], $0x10000  }
0x60: {  	[sflag:s2] =	ssyncset.done $0x0  }
0x61: {  	[sflag:s2] =	ssyncadd.s32 $0xFFFF0000  }
0x62: {  	_ =	swait.ge [sflag:s2], $0x10000  }
0x63: {  	[sflag:s2] =	ssyncset.done $0x0  }
0x64: {  	[sflag:s2] =	ssyncadd.s32 $0xFFFF0000  }
0x65: {  	_ =	swait.ge [sflag:s2], $0x10000  }
0x66: {  	[sflag:s2] =	ssyncset.done $0x0  }
0x67: {  	[sflag:s2] =	ssyncadd.s32 $0xFFFF0000  }
0x68: {  	_ =	swait.ge [sflag:s2], $0x10000  }
0x69: {  	[sflag:s2] =	ssyncset.done $0x0  }
0x6a: {  	[sflag:s2] =	ssyncadd.s32 $0xFFFF0000  }
0x6b: {  	_ =	swait.ge [sflag:s2], $0x10000  }
0x6c: {  	[sflag:s2] =	ssyncset.done $0x0  }
0x6d: {  	[sflag:s2] =	ssyncadd.s32 $0xFFFF0000  }
0x6e: {  	_ =	swait.ge [sflag:s2], $0x10000  }
0x6f: {  	[sflag:s2] =	ssyncset.done $0x0  }
0x70: {  	[sflag:s2] =	ssyncadd.s32 $0xFFFF0000  }
0x71: {  	_ =	swait.ge [sflag:s2], $0x10000  }
0x72: {  	[sflag:s2] =	ssyncset.done $0x0  }
0x73: {  	[sflag:s2] =	ssyncadd.s32 $0xFFFF0000  }
0x74: {  	_ =	swait.ge [sflag:s2], $0x10000  }
0x75: {  	[sflag:s2] =	ssyncset.done $0x0  }
0x76: {  	[sflag:s2] =	ssyncadd.s32 $0xFFFF0000  }
0x77: {  	_ =	swait.ge [sflag:s2], $0x10000  }
0x78: {  	[sflag:s2] =	ssyncset.done $0x0  }
0x79: {  	[sflag:s2] =	ssyncadd.s32 $0xFFFF0000  }
0x7a: {  	_ =	swait.ge [sflag:s2], $0x10000  }
0x7b: {  	[sflag:s2] =	ssyncset.done $0x0  }
0x7c: {  	[sflag:s2] =	ssyncadd.s32 $0xFFFF0000  }
0x7d: {  	_ =	swait.ge [sflag:s2], $0x10000  }
0x7e: {  	[sflag:s2] =	ssyncset.done $0x0  }
0x7f: {  	[sflag:s2] =	ssyncadd.s32 $0xFFFF0000  }
0x80: {  	_ =	swait.ge [sflag:s2], $0x10000  }
0x81: {  	[sflag:s2] =	ssyncset.done $0x0  }
0x82: {  	[sflag:s2] =	ssyncadd.s32 $0xFFFF0000  }
0x83: {  	_ =	swait.ge [sflag:s2], $0x10000  }
0x84: {  	[sflag:s2] =	ssyncset.done $0x0  }
0x85: {  	[sflag:s2] =	ssyncadd.s32 $0xFFFF0000  }
0x86: {  	_ =	swait.ge [sflag:s2], $0x10000  }
0x87: {  	[sflag:s2] =	ssyncset.done $0x0  }
0x88: {  	[sflag:s2] =	ssyncadd.s32 $0xFFFF0000  }
0x89: {  	_ =	swait.ge [sflag:s2], $0x10000  }
0x8a: {  	[sflag:s2] =	ssyncset.done $0x0  }
0x8b: {  	[sflag:s2] =	ssyncadd.s32 $0xFFFF0000  }
0x8c: {  	_ =	swait.ge [sflag:s2], $0x10000  }
0x8d: {  	[sflag:s2] =	ssyncset.done $0x0  }
0x8e: {  	[sflag:s2] =	ssyncadd.s32 $0xFFFF0000  }
0x8f: {  	_ =	swait.ge [sflag:s2], $0x10000  }
0x90: {  	[sflag:s2] =	ssyncset.done $0x0  }
0x91: {  	[sflag:s2] =	ssyncadd.s32 $0xFFFF0000  }
0x92: {  	_ =	swait.ge [sflag:s2], $0x10000  }
0x93: {  	[sflag:s2] =	ssyncset.done $0x0  }
0x94: {  	[sflag:s2] =	ssyncadd.s32 $0xFFFF0000  }
0x95: {  	_ =	swait.ge [sflag:s2], $0x10000  }
0x96: {  	[sflag:s2] =	ssyncset.done $0x0  }
0x97: {  	[sflag:s2] =	ssyncadd.s32 $0xFFFF0000  }
0x98: {  	_ =	swait.ge [sflag:s2], $0x10000  }
0x99: {  	[sflag:s2] =	ssyncset.done $0x0  }
0x9a: {  	[sflag:s2] =	ssyncadd.s32 $0xFFFF0000  }
0x9b: {  	_ =	swait.ge [sflag:s2], $0x10000  }
0x9c: {  	[sflag:s2] =	ssyncset.done $0x0  }
0x9d: {  	[sflag:s2] =	ssyncadd.s32 $0xFFFF0000  }
0x9e: {  	_ =	swait.ge [sflag:s2], $0x10000  }
0x9f: {  	[sflag:s2] =	ssyncset.done $0x0  }
0xa0: {  	[sflag:s2] =	ssyncadd.s32 $0xFFFF0000  }
0xa1: {  	_ =	swait.ge [sflag:s2], $0x10000  }
0xa2: {  	[sflag:s2] =	ssyncset.done $0x0  }
0xa3: {  	[sflag:s2] =	ssyncadd.s32 $0xFFFF0000  }
0xa4: {  	_ =	swait.ge [sflag:s2], $0x10000  }
0xa5: {  	[sflag:s2] =	ssyncset.done $0x0  }
0xa6: {  	[sflag:s2] =	ssyncadd.s32 $0xFFFF0000  }
0xa7: {  	_ =	swait.ge [sflag:s2], $0x10000  }
0xa8: {  	[sflag:s2] =	ssyncset.done $0x0  }
0xa9: {  	[sflag:s2] =	ssyncadd.s32 $0xFFFF0000  }
0xaa: {  	_ =	swait.ge [sflag:s2], $0x10000  }
0xab: {  	[sflag:s2] =	ssyncset.done $0x0  }
0xac: {  	[sflag:s2] =	ssyncadd.s32 $0xFFFF0000  }
0xad: {  	_ =	swait.ge [sflag:s2], $0x10000  }
0xae: {  	[sflag:s2] =	ssyncset.done $0x0  }
0xaf: {  	[sflag:s2] =	ssyncadd.s32 $0xFFFF0000  }
0xb0: {  	_ =	swait.ge [sflag:s2], $0x10000  }
0xb1: {  	[sflag:s2] =	ssyncset.done $0x0  }
0xb2: {  	p1 =	sne.s32 s5, $0x1;
	[sflag:s2] =	ssyncadd.s32 $0xFFFF0000  }
.Ltmp1:
0xb3: {  	_ =	swait.ge [sflag:s2], $0x10000;
	(pc) =	sbr.rel @!p1 .LBB2_3-.Ltmp1, $4  }
0xb4: {  	[sflag:s2] =	ssyncset.done $0x0  }
0xb5: {  	[sflag:s2] =	ssyncadd.s32 $0xFFFF0000  }
0xb6: {  	p0 =	por $0x1, $0x1;
	_ =	swait.ge [sflag:s2], $0x10000  }
0xb7: {  	s1 =	sadd.s32 $0xFFFFFFFF, s5;
	s0 =	rddreg [dreg:$0x3];
	[sflag:s2] =	ssyncset.done $0x0  }
.LBB2_4:
0xb8: {  	[sflag:s2] =	ssyncadd.s32 $0xFFFF0000  }
0xb9: {  	[tilespmem:s3], [sflag:$0x2] =	stream.linear.gather [hbm4b:s0+s3], $0x10000, $0x38;
	[tilespmem:$0x10000] =	vst v63  }
0xba: {  	_ =	swait.ge [sflag:s31], $0x10000  }
0xbb: {  	[sflag:s31] =	ssyncset.done $0x0  }
0xbc: {  	[sflag:s31] =	ssyncadd.s32 $0xFFFF0000  }
0xbd: {  	[hbm4b:s6+s3] =	stream.linear.scatter [tilespmem:s3], [sflag:$0x1], $0x10000, $0x38;
	[tilespmem:$0x10000] =	vst v63  }
0xbe: {  	s0 =	rddreg [dreg:$0x4]  }
0xbf: {  	[hbm4b:s0+s3] =	stream.linear.scatter [tilespmem:s3], [sflag:$0x1], $0x10000, $0x38;
	[tilespmem:$0x10000] =	vst v63  }
0xc0: {  	s5 =	rddreg [dreg:$0x5]  }
0xc1: {  	[hbm4b:s5+s3] =	stream.linear.scatter [tilespmem:s3], [sflag:$0x1], $0x10000, $0x38;
	[tilespmem:$0x10000] =	vst v63  }
0xc2: {  	s0 =	rddreg [dreg:$0x6]  }
0xc3: {  	[hbm4b:s0+s3] =	stream.linear.scatter [tilespmem:s3], [sflag:$0x1], $0x10000, $0x38;
	[tilespmem:$0x10000] =	vst v63  }
0xc4: {  	s5 =	rddreg [dreg:$0x7]  }
0xc5: {  	[hbm4b:s5+s3] =	stream.linear.scatter [tilespmem:s3], [sflag:$0x1], $0x10000, $0x38;
	[tilespmem:$0x10000] =	vst v63  }
0xc6: {  	s0 =	rddreg [dreg:$0x8]  }
0xc7: {  	[hbm4b:s0+s3] =	stream.linear.scatter [tilespmem:s3], [sflag:$0x1], $0x10000, $0x38;
	[tilespmem:$0x10000] =	vst v63  }
0xc8: {  	s5 =	rddreg [dreg:$0x9]  }
0xc9: {  	[hbm4b:s5+s3] =	stream.linear.scatter [tilespmem:s3], [sflag:$0x1], $0x10000, $0x38;
	[tilespmem:$0x10000] =	vst v63  }
0xca: {  	s5 =	rddreg [dreg:$0xa]  }
0xcb: {  	[hbm4b:s5+s3] =	stream.linear.scatter [tilespmem:s3], [sflag:$0x1], $0x10000, $0x38;
	[tilespmem:$0x10000] =	vst v63  }
0xcc: {  	_ = 	snop  }
0xcd: {  	[hbm4b:s7+s3] =	stream.linear.scatter [tilespmem:s3], [sflag:$0x1], $0x10000, $0x38;
	[tilespmem:$0x10000] =	vst v63  }
0xce: {  	_ = 	snop  }
0xcf: {  	[hbm4b:s8+s3] =	stream.linear.scatter [tilespmem:s3], [sflag:$0x1], $0x10000, $0x38;
	[tilespmem:$0x10000] =	vst v63  }
0xd0: {  	_ = 	snop  }
0xd1: {  	[hbm4b:s9+s3] =	stream.linear.scatter [tilespmem:s3], [sflag:$0x1], $0x10000, $0x38;
	[tilespmem:$0x10000] =	vst v63  }
0xd2: {  	_ = 	snop  }
0xd3: {  	[hbm4b:s10+s3] =	stream.linear.scatter [tilespmem:s3], [sflag:$0x1], $0x10000, $0x38;
	[tilespmem:$0x10000] =	vst v63  }
0xd4: {  	_ = 	snop  }
0xd5: {  	[hbm4b:s11+s3] =	stream.linear.scatter [tilespmem:s3], [sflag:$0x1], $0x10000, $0x38;
	[tilespmem:$0x10000] =	vst v63  }
0xd6: {  	_ = 	snop  }
0xd7: {  	[hbm4b:s12+s3] =	stream.linear.scatter [tilespmem:s3], [sflag:$0x1], $0x10000, $0x38;
	[tilespmem:$0x10000] =	vst v63  }
0xd8: {  	_ = 	snop  }
0xd9: {  	[hbm4b:s13+s3] =	stream.linear.scatter [tilespmem:s3], [sflag:$0x1], $0x10000, $0x38;
	[tilespmem:$0x10000] =	vst v63  }
0xda: {  	_ = 	snop  }
0xdb: {  	[hbm4b:s14+s3] =	stream.linear.scatter [tilespmem:s3], [sflag:$0x1], $0x10000, $0x38;
	[tilespmem:$0x10000] =	vst v63  }
0xdc: {  	_ = 	snop  }
0xdd: {  	[hbm4b:s15+s3] =	stream.linear.scatter [tilespmem:s3], [sflag:$0x1], $0x10000, $0x38;
	[tilespmem:$0x10000] =	vst v63  }
0xde: {  	_ = 	snop  }
0xdf: {  	[hbm4b:s16+s3] =	stream.linear.scatter [tilespmem:s3], [sflag:$0x1], $0x10000, $0x38;
	[tilespmem:$0x10000] =	vst v63  }
0xe0: {  	_ = 	snop  }
0xe1: {  	[hbm4b:s17+s3] =	stream.linear.scatter [tilespmem:s3], [sflag:$0x1], $0x10000, $0x38;
	[tilespmem:$0x10000] =	vst v63  }
0xe2: {  	_ = 	snop  }
0xe3: {  	[hbm4b:s18+s3] =	stream.linear.scatter [tilespmem:s3], [sflag:$0x1], $0x10000, $0x38;
	[tilespmem:$0x10000] =	vst v63  }
0xe4: {  	_ = 	snop  }
0xe5: {  	[hbm4b:s19+s3] =	stream.linear.scatter [tilespmem:s3], [sflag:$0x1], $0x10000, $0x38;
	[tilespmem:$0x10000] =	vst v63  }
0xe6: {  	_ = 	snop  }
0xe7: {  	[hbm4b:s20+s3] =	stream.linear.scatter [tilespmem:s3], [sflag:$0x1], $0x10000, $0x38;
	[tilespmem:$0x10000] =	vst v63  }
0xe8: {  	_ = 	snop  }
0xe9: {  	[hbm4b:s21+s3] =	stream.linear.scatter [tilespmem:s3], [sflag:$0x1], $0x10000, $0x38;
	[tilespmem:$0x10000] =	vst v63  }
0xea: {  	_ = 	snop  }
0xeb: {  	[hbm4b:s22+s3] =	stream.linear.scatter [tilespmem:s3], [sflag:$0x1], $0x10000, $0x38;
	[tilespmem:$0x10000] =	vst v63  }
0xec: {  	_ = 	snop  }
0xed: {  	[hbm4b:s23+s3] =	stream.linear.scatter [tilespmem:s3], [sflag:$0x1], $0x10000, $0x38;
	[tilespmem:$0x10000] =	vst v63  }
0xee: {  	_ = 	snop  }
0xef: {  	[hbm4b:s24+s3] =	stream.linear.scatter [tilespmem:s3], [sflag:$0x1], $0x10000, $0x38;
	[tilespmem:$0x10000] =	vst v63  }
0xf0: {  	_ = 	snop  }
0xf1: {  	[hbm4b:s25+s3] =	stream.linear.scatter [tilespmem:s3], [sflag:$0x1], $0x10000, $0x38;
	[tilespmem:$0x10000] =	vst v63  }
0xf2: {  	_ = 	snop  }
0xf3: {  	[hbm4b:s26+s3] =	stream.linear.scatter [tilespmem:s3], [sflag:$0x1], $0x10000, $0x38;
	[tilespmem:$0x10000] =	vst v63  }
0xf4: {  	_ = 	snop  }
0xf5: {  	[hbm4b:s28+s3] =	stream.linear.scatter [tilespmem:s3], [sflag:$0x1], $0x10000, $0x38;
	[tilespmem:$0x10000] =	vst v63  }
0xf6: {  	_ = 	snop  }
0xf7: {  	[hbm4b:s29+s3] =	stream.linear.scatter [tilespmem:s3], [sflag:$0x1], $0x10000, $0x38;
	[tilespmem:$0x10000] =	vst v63  }
0xf8: {  	_ = 	snop  }
0xf9: {  	[hbm4b:s30+s3] =	stream.linear.scatter [tilespmem:s3], [sflag:$0x1], $0x10000, $0x38;
	[tilespmem:$0x10000] =	vst v63  }
0xfa: {  	_ = 	snop  }
0xfb: {  	[hbm4b:s4+s3] =	stream.linear.scatter [tilespmem:s3], [sflag:$0x1], $0x10000, $0x38;
	[tilespmem:$0x10000] =	vst v63  }
0xfc: {  	_ =	swait.ge [sflag:s2], $0x10000  }
0xfd: {  	[sflag:s2] =	ssyncset.done $0x0  }
0xfe: {  	[sflag:s2] =	ssyncadd.s32 $0xFFFF0000  }
0xff: {  	_ =	swait.ge [sflag:s2], $0x10000  }
0x100: {  	[sflag:s2] =	ssyncset.done $0x0  }
0x101: {  	[sflag:s2] =	ssyncadd.s32 $0xFFFF0000  }
0x102: {  	_ =	swait.ge [sflag:s2], $0x10000  }
0x103: {  	[sflag:s2] =	ssyncset.done $0x0  }
0x104: {  	[sflag:s2] =	ssyncadd.s32 $0xFFFF0000  }
0x105: {  	_ =	swait.ge [sflag:s2], $0x10000  }
0x106: {  	[sflag:s2] =	ssyncset.done $0x0  }
0x107: {  	[sflag:s2] =	ssyncadd.s32 $0xFFFF0000  }
0x108: {  	_ =	swait.ge [sflag:s2], $0x10000  }
0x109: {  	[sflag:s2] =	ssyncset.done $0x0  }
0x10a: {  	[sflag:s2] =	ssyncadd.s32 $0xFFFF0000  }
0x10b: {  	_ =	swait.ge [sflag:s2], $0x10000  }
0x10c: {  	[sflag:s2] =	ssyncset.done $0x0  }
0x10d: {  	[sflag:s2] =	ssyncadd.s32 $0xFFFF0000  }
0x10e: {  	_ =	swait.ge [sflag:s2], $0x10000  }
0x10f: {  	[sflag:s2] =	ssyncset.done $0x0  }
0x110: {  	[sflag:s2] =	ssyncadd.s32 $0xFFFF0000  }
0x111: {  	_ =	swait.ge [sflag:s2], $0x10000  }
0x112: {  	[sflag:s2] =	ssyncset.done $0x0  }
0x113: {  	[sflag:s2] =	ssyncadd.s32 $0xFFFF0000  }
0x114: {  	_ =	swait.ge [sflag:s2], $0x10000  }
0x115: {  	[sflag:s2] =	ssyncset.done $0x0  }
0x116: {  	[sflag:s2] =	ssyncadd.s32 $0xFFFF0000  }
0x117: {  	_ =	swait.ge [sflag:s2], $0x10000  }
0x118: {  	[sflag:s2] =	ssyncset.done $0x0  }
0x119: {  	[sflag:s2] =	ssyncadd.s32 $0xFFFF0000  }
0x11a: {  	_ =	swait.ge [sflag:s2], $0x10000  }
0x11b: {  	[sflag:s2] =	ssyncset.done $0x0  }
0x11c: {  	[sflag:s2] =	ssyncadd.s32 $0xFFFF0000  }
0x11d: {  	_ =	swait.ge [sflag:s2], $0x10000  }
0x11e: {  	[sflag:s2] =	ssyncset.done $0x0  }
0x11f: {  	[sflag:s2] =	ssyncadd.s32 $0xFFFF0000  }
0x120: {  	_ =	swait.ge [sflag:s2], $0x10000  }
0x121: {  	[sflag:s2] =	ssyncset.done $0x0  }
0x122: {  	[sflag:s2] =	ssyncadd.s32 $0xFFFF0000  }
0x123: {  	_ =	swait.ge [sflag:s2], $0x10000  }
0x124: {  	[sflag:s2] =	ssyncset.done $0x0  }
0x125: {  	[sflag:s2] =	ssyncadd.s32 $0xFFFF0000  }
0x126: {  	_ =	swait.ge [sflag:s2], $0x10000  }
0x127: {  	[sflag:s2] =	ssyncset.done $0x0  }
0x128: {  	[sflag:s2] =	ssyncadd.s32 $0xFFFF0000  }
0x129: {  	_ =	swait.ge [sflag:s2], $0x10000  }
0x12a: {  	[sflag:s2] =	ssyncset.done $0x0  }
0x12b: {  	[sflag:s2] =	ssyncadd.s32 $0xFFFF0000  }
0x12c: {  	_ =	swait.ge [sflag:s2], $0x10000  }
0x12d: {  	[sflag:s2] =	ssyncset.done $0x0  }
0x12e: {  	[sflag:s2] =	ssyncadd.s32 $0xFFFF0000  }
0x12f: {  	_ =	swait.ge [sflag:s2], $0x10000  }
0x130: {  	[sflag:s2] =	ssyncset.done $0x0  }
0x131: {  	[sflag:s2] =	ssyncadd.s32 $0xFFFF0000  }
0x132: {  	_ =	swait.ge [sflag:s2], $0x10000  }
0x133: {  	[sflag:s2] =	ssyncset.done $0x0  }
0x134: {  	[sflag:s2] =	ssyncadd.s32 $0xFFFF0000  }
0x135: {  	_ =	swait.ge [sflag:s2], $0x10000  }
0x136: {  	[sflag:s2] =	ssyncset.done $0x0  }
0x137: {  	[sflag:s2] =	ssyncadd.s32 $0xFFFF0000  }
0x138: {  	_ =	swait.ge [sflag:s2], $0x10000  }
0x139: {  	[sflag:s2] =	ssyncset.done $0x0  }
0x13a: {  	[sflag:s2] =	ssyncadd.s32 $0xFFFF0000  }
0x13b: {  	_ =	swait.ge [sflag:s2], $0x10000  }
0x13c: {  	[sflag:s2] =	ssyncset.done $0x0  }
0x13d: {  	[sflag:s2] =	ssyncadd.s32 $0xFFFF0000  }
0x13e: {  	_ =	swait.ge [sflag:s2], $0x10000  }
0x13f: {  	[sflag:s2] =	ssyncset.done $0x0  }
0x140: {  	[sflag:s2] =	ssyncadd.s32 $0xFFFF0000  }
0x141: {  	_ =	swait.ge [sflag:s2], $0x10000  }
0x142: {  	[sflag:s2] =	ssyncset.done $0x0  }
0x143: {  	[sflag:s2] =	ssyncadd.s32 $0xFFFF0000  }
0x144: {  	_ =	swait.ge [sflag:s2], $0x10000  }
0x145: {  	[sflag:s2] =	ssyncset.done $0x0  }
0x146: {  	[sflag:s2] =	ssyncadd.s32 $0xFFFF0000  }
0x147: {  	_ =	swait.ge [sflag:s2], $0x10000  }
0x148: {  	[sflag:s2] =	ssyncset.done $0x0  }
0x149: {  	[sflag:s2] =	ssyncadd.s32 $0xFFFF0000  }
0x14a: {  	_ =	swait.ge [sflag:s2], $0x10000  }
0x14b: {  	[sflag:s2] =	ssyncset.done $0x0  }
0x14c: {  	[sflag:s2] =	ssyncadd.s32 $0xFFFF0000  }
0x14d: {  	_ =	swait.ge [sflag:s2], $0x10000  }
0x14e: {  	[sflag:s2] =	ssyncset.done $0x0  }
0x14f: {  	[sflag:s2] =	ssyncadd.s32 $0xFFFF0000  }
0x150: {  	_ =	swait.ge [sflag:s2], $0x10000  }
0x151: {  	[sflag:s2] =	ssyncset.done $0x0  }
0x152: {  	[sflag:s2] =	ssyncadd.s32 $0xFFFF0000  }
0x153: {  	_ =	swait.ge [sflag:s2], $0x10000  }
0x154: {  	[sflag:s2] =	ssyncset.done $0x0  }
0x155: {  	p1 =	sne.s32 s1, $0x1;
	[sflag:s2] =	ssyncadd.s32 $0xFFFF0000  }
.Ltmp2:
0x156: {  	_ =	swait.ge [sflag:s2], $0x10000;
	(pc) =	sbr.rel @p1 .LBB2_4-.Ltmp2, $4  }
0x157: {  	[sflag:s2] =	ssyncset.done $0x0  }
0x158: {  	[sflag:s2] =	ssyncadd.s32 $0xFFFF0000  }
0x159: {  	_ =	swait.ge [sflag:s2], $0x10000  }
0x15a: {  	s1 =	sadd.s32 $0xFFFFFFFF, s1;
	s0 =	rddreg [dreg:$0x3];
	[sflag:s2] =	ssyncset.done $0x0  }
0x15b: {  	s5 =	rddreg [dreg:$0xa]  }
.LBB2_6:
0x15c: {  	[sflag:s2] =	ssyncadd.s32 @p0 $0xFFFF0000  }
0x15d: {  	[tilespmem:s3], [sflag:$0x2] =	stream.linear.gather [hbm4b:s0+s3], $0x10000, $0x38;
	[tilespmem:$0x10000] =	vst v63  }
0x15e: {  	_ =	swait.ge [sflag:s31], $0x10000  }
0x15f: {  	[sflag:s31] =	ssyncset.done $0x0  }
0x160: {  	[sflag:s31] =	ssyncadd.s32 $0xFFFF0000  }
0x161: {  	[hbm4b:s6+s3] =	stream.linear.scatter [tilespmem:s3], [sflag:$0x1], $0x10000, $0x38;
	[tilespmem:$0x10000] =	vst v63  }
0x162: {  	s31 =	rddreg [dreg:$0x4]  }
0x163: {  	[hbm4b:s31+s3] =	stream.linear.scatter [tilespmem:s3], [sflag:$0x1], $0x10000, $0x38;
	[tilespmem:$0x10000] =	vst v63  }
0x164: {  	s1 =	rddreg [dreg:$0x5]  }
0x165: {  	[hbm4b:s1+s3] =	stream.linear.scatter [tilespmem:s3], [sflag:$0x1], $0x10000, $0x38;
	[tilespmem:$0x10000] =	vst v63  }
0x166: {  	s31 =	rddreg [dreg:$0x6]  }
0x167: {  	[hbm4b:s31+s3] =	stream.linear.scatter [tilespmem:s3], [sflag:$0x1], $0x10000, $0x38;
	[tilespmem:$0x10000] =	vst v63  }
0x168: {  	s6 =	rddreg [dreg:$0x7]  }
0x169: {  	[hbm4b:s6+s3] =	stream.linear.scatter [tilespmem:s3], [sflag:$0x1], $0x10000, $0x38;
	[tilespmem:$0x10000] =	vst v63  }
0x16a: {  	s31 =	rddreg [dreg:$0x8]  }
0x16b: {  	[hbm4b:s31+s3] =	stream.linear.scatter [tilespmem:s3], [sflag:$0x1], $0x10000, $0x38;
	[tilespmem:$0x10000] =	vst v63  }
0x16c: {  	s6 =	rddreg [dreg:$0x9]  }
0x16d: {  	[hbm4b:s6+s3] =	stream.linear.scatter [tilespmem:s3], [sflag:$0x1], $0x10000, $0x38;
	[tilespmem:$0x10000] =	vst v63  }
0x16e: {  	_ = 	snop  }
0x16f: {  	[hbm4b:s5+s3] =	stream.linear.scatter [tilespmem:s3], [sflag:$0x1], $0x10000, $0x38;
	[tilespmem:$0x10000] =	vst v63  }
0x170: {  	_ = 	snop  }
0x171: {  	[hbm4b:s7+s3] =	stream.linear.scatter [tilespmem:s3], [sflag:$0x1], $0x10000, $0x38;
	[tilespmem:$0x10000] =	vst v63  }
0x172: {  	_ = 	snop  }
0x173: {  	[hbm4b:s8+s3] =	stream.linear.scatter [tilespmem:s3], [sflag:$0x1], $0x10000, $0x38;
	[tilespmem:$0x10000] =	vst v63  }
0x174: {  	_ = 	snop  }
0x175: {  	[hbm4b:s9+s3] =	stream.linear.scatter [tilespmem:s3], [sflag:$0x1], $0x10000, $0x38;
	[tilespmem:$0x10000] =	vst v63  }
0x176: {  	_ = 	snop  }
0x177: {  	[hbm4b:s10+s3] =	stream.linear.scatter [tilespmem:s3], [sflag:$0x1], $0x10000, $0x38;
	[tilespmem:$0x10000] =	vst v63  }
0x178: {  	_ = 	snop  }
0x179: {  	[hbm4b:s11+s3] =	stream.linear.scatter [tilespmem:s3], [sflag:$0x1], $0x10000, $0x38;
	[tilespmem:$0x10000] =	vst v63  }
0x17a: {  	_ = 	snop  }
0x17b: {  	[hbm4b:s12+s3] =	stream.linear.scatter [tilespmem:s3], [sflag:$0x1], $0x10000, $0x38;
	[tilespmem:$0x10000] =	vst v63  }
0x17c: {  	_ = 	snop  }
0x17d: {  	[hbm4b:s13+s3] =	stream.linear.scatter [tilespmem:s3], [sflag:$0x1], $0x10000, $0x38;
	[tilespmem:$0x10000] =	vst v63  }
0x17e: {  	_ = 	snop  }
0x17f: {  	[hbm4b:s14+s3] =	stream.linear.scatter [tilespmem:s3], [sflag:$0x1], $0x10000, $0x38;
	[tilespmem:$0x10000] =	vst v63  }
0x180: {  	_ = 	snop  }
0x181: {  	[hbm4b:s15+s3] =	stream.linear.scatter [tilespmem:s3], [sflag:$0x1], $0x10000, $0x38;
	[tilespmem:$0x10000] =	vst v63  }
0x182: {  	_ = 	snop  }
0x183: {  	[hbm4b:s16+s3] =	stream.linear.scatter [tilespmem:s3], [sflag:$0x1], $0x10000, $0x38;
	[tilespmem:$0x10000] =	vst v63  }
0x184: {  	_ = 	snop  }
0x185: {  	[hbm4b:s17+s3] =	stream.linear.scatter [tilespmem:s3], [sflag:$0x1], $0x10000, $0x38;
	[tilespmem:$0x10000] =	vst v63  }
0x186: {  	_ = 	snop  }
0x187: {  	[hbm4b:s18+s3] =	stream.linear.scatter [tilespmem:s3], [sflag:$0x1], $0x10000, $0x38;
	[tilespmem:$0x10000] =	vst v63  }
0x188: {  	_ = 	snop  }
0x189: {  	[hbm4b:s19+s3] =	stream.linear.scatter [tilespmem:s3], [sflag:$0x1], $0x10000, $0x38;
	[tilespmem:$0x10000] =	vst v63  }
0x18a: {  	_ = 	snop  }
0x18b: {  	[hbm4b:s20+s3] =	stream.linear.scatter [tilespmem:s3], [sflag:$0x1], $0x10000, $0x38;
	[tilespmem:$0x10000] =	vst v63  }
0x18c: {  	_ = 	snop  }
0x18d: {  	[hbm4b:s21+s3] =	stream.linear.scatter [tilespmem:s3], [sflag:$0x1], $0x10000, $0x38;
	[tilespmem:$0x10000] =	vst v63  }
0x18e: {  	_ = 	snop  }
0x18f: {  	[hbm4b:s22+s3] =	stream.linear.scatter [tilespmem:s3], [sflag:$0x1], $0x10000, $0x38;
	[tilespmem:$0x10000] =	vst v63  }
0x190: {  	_ = 	snop  }
0x191: {  	[hbm4b:s23+s3] =	stream.linear.scatter [tilespmem:s3], [sflag:$0x1], $0x10000, $0x38;
	[tilespmem:$0x10000] =	vst v63  }
0x192: {  	_ = 	snop  }
0x193: {  	[hbm4b:s24+s3] =	stream.linear.scatter [tilespmem:s3], [sflag:$0x1], $0x10000, $0x38;
	[tilespmem:$0x10000] =	vst v63  }
0x194: {  	_ = 	snop  }
0x195: {  	[hbm4b:s25+s3] =	stream.linear.scatter [tilespmem:s3], [sflag:$0x1], $0x10000, $0x38;
	[tilespmem:$0x10000] =	vst v63  }
0x196: {  	_ = 	snop  }
0x197: {  	[hbm4b:s26+s3] =	stream.linear.scatter [tilespmem:s3], [sflag:$0x1], $0x10000, $0x38;
	[tilespmem:$0x10000] =	vst v63  }
0x198: {  	_ = 	snop  }
0x199: {  	[hbm4b:s28+s3] =	stream.linear.scatter [tilespmem:s3], [sflag:$0x1], $0x10000, $0x38;
	[tilespmem:$0x10000] =	vst v63  }
0x19a: {  	_ = 	snop  }
0x19b: {  	[hbm4b:s29+s3] =	stream.linear.scatter [tilespmem:s3], [sflag:$0x1], $0x10000, $0x38;
	[tilespmem:$0x10000] =	vst v63  }
0x19c: {  	_ = 	snop  }
0x19d: {  	[hbm4b:s30+s3] =	stream.linear.scatter [tilespmem:s3], [sflag:$0x1], $0x10000, $0x38;
	[tilespmem:$0x10000] =	vst v63  }
0x19e: {  	_ = 	snop  }
0x19f: {  	[hbm4b:s4+s3] =	stream.linear.scatter [tilespmem:s3], [sflag:$0x1], $0x10000, $0x38;
	[tilespmem:$0x10000] =	vst v63  }
0x1a0: {  	_ =	swait.ge [sflag:s2], $0x10000  }
0x1a1: {  	[sflag:s2] =	ssyncset.done $0x0  }
0x1a2: {  	[sflag:s2] =	ssyncadd.s32 $0xFFFF0000  }
0x1a3: {  	_ =	swait.ge [sflag:s2], $0x10000  }
0x1a4: {  	[sflag:s2] =	ssyncset.done $0x0  }
0x1a5: {  	[sflag:s2] =	ssyncadd.s32 $0xFFFF0000  }
0x1a6: {  	_ =	swait.ge [sflag:s2], $0x10000  }
0x1a7: {  	[sflag:s2] =	ssyncset.done $0x0  }
0x1a8: {  	[sflag:s2] =	ssyncadd.s32 $0xFFFF0000  }
0x1a9: {  	_ =	swait.ge [sflag:s2], $0x10000  }
0x1aa: {  	[sflag:s2] =	ssyncset.done $0x0  }
0x1ab: {  	[sflag:s2] =	ssyncadd.s32 $0xFFFF0000  }
0x1ac: {  	_ =	swait.ge [sflag:s2], $0x10000  }
0x1ad: {  	[sflag:s2] =	ssyncset.done $0x0  }
0x1ae: {  	[sflag:s2] =	ssyncadd.s32 $0xFFFF0000  }
0x1af: {  	_ =	swait.ge [sflag:s2], $0x10000  }
0x1b0: {  	[sflag:s2] =	ssyncset.done $0x0  }
0x1b1: {  	[sflag:s2] =	ssyncadd.s32 $0xFFFF0000  }
0x1b2: {  	_ =	swait.ge [sflag:s2], $0x10000  }
0x1b3: {  	[sflag:s2] =	ssyncset.done $0x0  }
0x1b4: {  	[sflag:s2] =	ssyncadd.s32 $0xFFFF0000  }
0x1b5: {  	_ =	swait.ge [sflag:s2], $0x10000  }
0x1b6: {  	[sflag:s2] =	ssyncset.done $0x0  }
0x1b7: {  	[sflag:s2] =	ssyncadd.s32 $0xFFFF0000  }
0x1b8: {  	_ =	swait.ge [sflag:s2], $0x10000  }
0x1b9: {  	[sflag:s2] =	ssyncset.done $0x0  }
0x1ba: {  	[sflag:s2] =	ssyncadd.s32 $0xFFFF0000  }
0x1bb: {  	_ =	swait.ge [sflag:s2], $0x10000  }
0x1bc: {  	[sflag:s2] =	ssyncset.done $0x0  }
0x1bd: {  	[sflag:s2] =	ssyncadd.s32 $0xFFFF0000  }
0x1be: {  	_ =	swait.ge [sflag:s2], $0x10000  }
0x1bf: {  	[sflag:s2] =	ssyncset.done $0x0  }
0x1c0: {  	[sflag:s2] =	ssyncadd.s32 $0xFFFF0000  }
0x1c1: {  	_ =	swait.ge [sflag:s2], $0x10000  }
0x1c2: {  	[sflag:s2] =	ssyncset.done $0x0  }
0x1c3: {  	[sflag:s2] =	ssyncadd.s32 $0xFFFF0000  }
0x1c4: {  	_ =	swait.ge [sflag:s2], $0x10000  }
0x1c5: {  	[sflag:s2] =	ssyncset.done $0x0  }
0x1c6: {  	[sflag:s2] =	ssyncadd.s32 $0xFFFF0000  }
0x1c7: {  	_ =	swait.ge [sflag:s2], $0x10000  }
0x1c8: {  	[sflag:s2] =	ssyncset.done $0x0  }
0x1c9: {  	[sflag:s2] =	ssyncadd.s32 $0xFFFF0000  }
0x1ca: {  	_ =	swait.ge [sflag:s2], $0x10000  }
0x1cb: {  	[sflag:s2] =	ssyncset.done $0x0  }
0x1cc: {  	[sflag:s2] =	ssyncadd.s32 $0xFFFF0000  }
0x1cd: {  	_ =	swait.ge [sflag:s2], $0x10000  }
0x1ce: {  	[sflag:s2] =	ssyncset.done $0x0  }
0x1cf: {  	[sflag:s2] =	ssyncadd.s32 $0xFFFF0000  }
0x1d0: {  	_ =	swait.ge [sflag:s2], $0x10000  }
0x1d1: {  	[sflag:s2] =	ssyncset.done $0x0  }
0x1d2: {  	[sflag:s2] =	ssyncadd.s32 $0xFFFF0000  }
0x1d3: {  	_ =	swait.ge [sflag:s2], $0x10000  }
0x1d4: {  	[sflag:s2] =	ssyncset.done $0x0  }
0x1d5: {  	[sflag:s2] =	ssyncadd.s32 $0xFFFF0000  }
0x1d6: {  	_ =	swait.ge [sflag:s2], $0x10000  }
0x1d7: {  	[sflag:s2] =	ssyncset.done $0x0  }
0x1d8: {  	[sflag:s2] =	ssyncadd.s32 $0xFFFF0000  }
0x1d9: {  	_ =	swait.ge [sflag:s2], $0x10000  }
0x1da: {  	[sflag:s2] =	ssyncset.done $0x0  }
0x1db: {  	[sflag:s2] =	ssyncadd.s32 $0xFFFF0000  }
0x1dc: {  	_ =	swait.ge [sflag:s2], $0x10000  }
0x1dd: {  	[sflag:s2] =	ssyncset.done $0x0  }
0x1de: {  	[sflag:s2] =	ssyncadd.s32 $0xFFFF0000  }
0x1df: {  	_ =	swait.ge [sflag:s2], $0x10000  }
0x1e0: {  	[sflag:s2] =	ssyncset.done $0x0  }
0x1e1: {  	[sflag:s2] =	ssyncadd.s32 $0xFFFF0000  }
0x1e2: {  	_ =	swait.ge [sflag:s2], $0x10000  }
0x1e3: {  	[sflag:s2] =	ssyncset.done $0x0  }
0x1e4: {  	[sflag:s2] =	ssyncadd.s32 $0xFFFF0000  }
0x1e5: {  	_ =	swait.ge [sflag:s2], $0x10000  }
0x1e6: {  	[sflag:s2] =	ssyncset.done $0x0  }
0x1e7: {  	[sflag:s2] =	ssyncadd.s32 $0xFFFF0000  }
0x1e8: {  	_ =	swait.ge [sflag:s2], $0x10000  }
0x1e9: {  	[sflag:s2] =	ssyncset.done $0x0  }
0x1ea: {  	[sflag:s2] =	ssyncadd.s32 $0xFFFF0000  }
0x1eb: {  	_ =	swait.ge [sflag:s2], $0x10000  }
0x1ec: {  	[sflag:s2] =	ssyncset.done $0x0  }
0x1ed: {  	[sflag:s2] =	ssyncadd.s32 $0xFFFF0000  }
0x1ee: {  	_ =	swait.ge [sflag:s2], $0x10000  }
0x1ef: {  	[sflag:s2] =	ssyncset.done $0x0  }
0x1f0: {  	[sflag:s2] =	ssyncadd.s32 $0xFFFF0000  }
0x1f1: {  	_ =	swait.ge [sflag:s2], $0x10000  }
0x1f2: {  	[sflag:s2] =	ssyncset.done $0x0  }
0x1f3: {  	[sflag:s2] =	ssyncadd.s32 $0xFFFF0000  }
0x1f4: {  	_ =	swait.ge [sflag:s2], $0x10000  }
0x1f5: {  	[sflag:s2] =	ssyncset.done $0x0  }
0x1f6: {  	[sflag:s2] =	ssyncadd.s32 $0xFFFF0000  }
0x1f7: {  	_ =	swait.ge [sflag:s2], $0x10000  }
0x1f8: {  	[sflag:s2] =	ssyncset.done $0x0  }
0x1f9: {  	[sflag:s2] =	ssyncadd.s32 $0xFFFF0000  }
0x1fa: {  	_ =	swait.ge [sflag:s2], $0x10000  }
0x1fb: {  	[sflag:s2] =	ssyncset.done $0x0  }
0x1fc: {  	[sflag:s2] =	ssyncadd.s32 $0xFFFF0000  }
0x1fd: {  	_ =	swait.ge [sflag:s2], $0x10000  }
0x1fe: {  	[sflag:s2] =	ssyncset.done $0x0  }
0x1ff: {  	[sflag:s2] =	ssyncadd.s32 $0xFFFF0000  }
0x200: {  	_ =	sfence.sel $0x180000  }
0x201: {  	[bflag:$0x0] =	sbarrier.arrive $0xFFFF  }
0x202: {  	_ =	strace $0x90000047  }
0x203: {  	s31 =	stileid.u32;
	[bflag:$0x2] =	sbarrier.arrive $0xFFFF  }
0x204: {  	p0 =	sne.s32 s31, $0x0;
	s0 =	rddreg [dreg:$0x2]  }
0x205: {  	s0 =	sadd.s32 @!p0 $0x100000, s0  }
0x206: {  	[sflag:s0] =	ssyncadd.tile.s32 @!p0 $0x1;
	_ =	shalt  }
.LBB2_1:
.Ltmp3:
0x207: {  	(pc) =	sbr.rel .LBB2_6-.Ltmp3, $2  }
0x208: {  	_ =	sdelay $0x2  }
0x209: {  	s5 =	rddreg [dreg:$0xa]  }
.LBB2_3:
.Ltmp4:
0x20a: {  	(pc) =	sbr.rel .LBB2_6-.Ltmp4, $2  }
0x20b: {  	_ =	sdelay $0x2  }
0x20c: {  	s5 =	rddreg [dreg:$0xa]  }
.Lfunc_end2:
_tile_overlayer_lowered:
.L_overlay_start_2:
0x20d: {  	(tag) =	ssettag $0x2  }
0x20e: {  	s0 =	rddreg [dreg:$0x0];
	s2 =	stileid.u32  }
0x20f: {  	s1 =	rddreg [dreg:$0x1];
	p0 =	sne.s32 s2, $0x0  }
0x210: {  	s3 =	rddreg [dreg:$0x2];
	[bflag:$0x3] =	sbarrier.arrive $0xFFFF;
	s2 =	simm.s32 @!p0 $0x1C02  }
0x211: {  	[timem:s3], [sflag:s2] =	dma.local @!p0 [hbm:s0], s1  }
0x212: {  	s0 =	simm.s32 @!p0 $0x2  }
0x213: {  	_ =	swait.ge @!p0 [sflag:s0], s1  }
0x214: {  	s1 =	ssub.s32 @!p0 $0x0, s1;
	[sflag:s0] =	ssyncset.done @!p0 $0x0  }
0x215: {  	[sflag:s0] =	ssyncadd.s32 @!p0 s1  }
0x216: {  	[bflag:$0x3] =	sbarrier.arrive $0xFFFF  }
0x217: {  	_ =	shalt  }

</sc_bundles>
